<compile_context>
chip_gen: v7x
topology: tpu7x:2x2x1
jax: 0.10.2.dev20260603
libtpu: 0.0.44.dev20260713+nightly
codegen_flags: <defaults>
</compile_context>

<pallas_src>
import functools
import math

import jax
import jax.numpy as jnp
from jax import lax
from jax.experimental import pallas as pl
from jax.experimental.pallas import tpu as pltpu
from jax.experimental.pallas import tpu_sc as plsc

NUM_BANDS = 32
NORMALIZE_SCALE = 6.87
FDIM = 2 * (1 + 2 * NUM_BANDS)

_TWO_PI = 2.0 * math.pi
_RND = 1.5 * 2.0**23


def _fast_sin(angle):
    n = (angle * (1.0 / _TWO_PI) + _RND) - _RND
    t = angle - n * _TWO_PI
    s = t * t
    p = 2.17325696e-06
    p = p * s + -1.93162699e-04
    p = p * s + 8.31238828e-03
    p = p * s + -1.66632594e-01
    p = p * s + 9.99984593e-01
    return p * t


def _sc_knn(pos_il, L, kk, S):
    B = pos_il.shape[0]
    info = plsc.get_sparse_core_info()
    NC, NS = info.num_cores, info.num_subcores
    NW = NC * NS
    rows_w = (B * (L - S)) // NW
    wpb = (L - S) // rows_w
    nchunks = L // 16
    mesh = plsc.VectorSubcoreMesh(core_axis_name="c", subcore_axis_name="s")

    @functools.partial(
        pl.kernel,
        mesh=mesh,
        compiler_params=pltpu.CompilerParams(needs_layout_passes=False),
        out_type=[
            jax.ShapeDtypeStruct((B * (L - S), kk), jnp.int32),
            jax.ShapeDtypeStruct((B * (L - S), kk), jnp.float32),
            jax.ShapeDtypeStruct((B * (L - S), kk), jnp.float32),
        ],
        scratch_types=[
            pltpu.VMEM((2 * L,), jnp.float32),
            pltpu.VMEM((L + 16,), jnp.float32),
            pltpu.VMEM((L + 16,), jnp.int32),
            pltpu.VMEM((rows_w, kk), jnp.int32),
            pltpu.VMEM((rows_w, kk), jnp.float32),
            pltpu.VMEM((rows_w, kk), jnp.float32),
        ],
    )
    def knn(pos_hbm, idx_hbm, dx_hbm, dy_hbm, pil, db, pi, ib, xb, yb):
        wid = lax.axis_index("s") * NC + lax.axis_index("c")
        batch = wid // wpb
        base = S + (wid % wpb) * rows_w
        pltpu.sync_copy(pos_hbm.at[batch], pil)
        db[pl.ds(L, 16)] = jnp.full((16,), jnp.inf)
        lane = lax.broadcasted_iota(jnp.int32, (16,), 0)
        lane2 = lane * 2
        inf = jnp.float32(jnp.inf)

        def row_body(r, carry):
            q = base + r
            q2 = jnp.full((16,), 2 * q, jnp.int32)
            xq = plsc.load_gather(pil, [q2])
            yq = plsc.load_gather(pil, [q2 + 1])
            plsc.store_scatter(pil, [q2], jnp.full((16,), inf))

            def a_body(c, m):
                gi2 = c * 32 + lane2
                xj = plsc.load_gather(pil, [gi2])
                yj = plsc.load_gather(pil, [gi2 + 1])
                dx = xj - xq
                dy = yj - yq
                d = dx * dx + dy * dy
                db[pl.ds(pl.multiple_of(c * 16, 16), 16)] = d
                return jnp.minimum(m, d)

            m = lax.fori_loop(0, nchunks, a_body, jnp.full((16,), inf),
                              unroll=4)
            thr0 = jnp.full((16,), jnp.max(m))

            def b_body(c, cnt):
                d = db[pl.ds(pl.multiple_of(c * 16, 16), 16)]
                hit = d <= thr0
                pc = plsc.all_reduce_population_count(hit)
                ci = c * 16 + lane
                plsc.store_compressed(pi.at[pl.ds(cnt, 16)], ci, mask=hit)
                return cnt + pc[0]

            cnt = lax.fori_loop(0, nchunks, b_body, 0, unroll=2)
            pi[pl.ds(cnt, 16)] = jnp.full((16,), L, jnp.int32)

            def c_body(c, st):
                bd, bi, thr = st
                ci = pi[pl.ds(c * 16, 16)]
                d = plsc.load_gather(db, [ci])
                hc = plsc.all_reduce_population_count(d < thr)

                def merge(st2):
                    bd0, bi0, _ = st2
                    dd, di = plsc.sort_key_val(d, ci, descending=True)
                    take = dd < bd0
                    nd = jnp.where(take, dd, bd0)
                    ni = jnp.where(take, di, bi0)
                    bd1, bi1 = plsc.sort_key_val(nd, ni)
                    return bd1, bi1, jnp.full((16,), bd1[15])

                return lax.cond(hc[0] > 0, merge, lambda s: s, (bd, bi, thr))

            nit = (cnt + 15) // 16
            init = (jnp.full((16,), inf), jnp.full((16,), L, jnp.int32),
                    jnp.full((16,), inf))
            bd, bi, _ = lax.fori_loop(0, nit, c_body, init)
            plsc.store_scatter(pil, [q2], xq)
            nx = plsc.load_gather(pil, [bi * 2])
            ny = plsc.load_gather(pil, [bi * 2 + 1])
            ib[r, :] = bi
            xb[r, :] = nx - xq
            yb[r, :] = ny - yq
            return carry

        lax.fori_loop(0, rows_w, row_body, 0)
        gbase = batch * (L - S) + (wid % wpb) * rows_w
        pltpu.sync_copy(ib, idx_hbm.at[pl.ds(gbase, rows_w), :])
        pltpu.sync_copy(xb, dx_hbm.at[pl.ds(gbase, rows_w), :])
        pltpu.sync_copy(yb, dy_hbm.at[pl.ds(gbase, rows_w), :])

    return knn(pos_il)


def _topk_body(px_r, py_r, px_c, py_c, idx_ref, dx_ref, dy_ref, *, rb, l, kk):
    xi = px_r[0]
    yi = py_r[0]
    xj = px_c[0]
    yj = py_c[0]
    dxm = xj - xi
    dym = yj - yi
    d = dxm * dxm + dym * dym
    rows = jax.lax.broadcasted_iota(jnp.int32, (rb, l), 0)
    cols = jax.lax.broadcasted_iota(jnp.int32, (rb, l), 1)
    row_base = pl.program_id(1) * rb
    d = jnp.where(cols == rows + row_base, jnp.inf, d)
    for t in range(kk):
        m = jnp.min(d, axis=1, keepdims=True)
        idx_t = jnp.min(jnp.where(d == m, cols, l), axis=1, keepdims=True)
        sel = cols == idx_t
        xj_sel = jnp.sum(jnp.where(sel, dxm, 0.0), axis=1)
        yj_sel = jnp.sum(jnp.where(sel, dym, 0.0), axis=1)
        d = jnp.where(sel, jnp.inf, d)
        idx_ref[0, :, t] = idx_t[:, 0]
        dx_ref[0, :, t] = xj_sel
        dy_ref[0, :, t] = yj_sel


def _encode_body(dx_ref, dy_ref, rpe_ref, dist_ref, self_ref, *, rb, kk):
    dx = dx_ref[...]
    dy = dy_ref[...]
    dist_ref[...] = jnp.sqrt(dx * dx + dy * dy + 1e-8)
    w = kk * FDIM
    p = jax.lax.broadcasted_iota(jnp.int32, (1, w), 1)
    n = p // FDIM
    f = p - n * FDIM
    g = f % 65
    isy = f >= 65
    iscos = g >= 33
    israw = g == 0
    src = n + jnp.where(isy, kk, 0)
    freq = jnp.where(iscos, g - 32, g).astype(jnp.float32)
    phase = jnp.where(iscos, 0.5 * math.pi, 0.0)
    s = jax.lax.broadcasted_iota(jnp.int32, (2 * kk, 1), 0)
    onehot = (s == src).astype(jnp.bfloat16)
    dxy = jnp.concatenate([dx, dy], axis=1)
    h1 = dxy.astype(jnp.bfloat16)
    r1 = dxy - h1.astype(jnp.float32)
    h2 = r1.astype(jnp.bfloat16)
    h3 = (r1 - h2.astype(jnp.float32)).astype(jnp.bfloat16)
    v = 0.0
    for h in (h1, h2, h3):
        v = v + jax.lax.dot_general(
            h, onehot, (((1,), (0,)), ((), ())),
            preferred_element_type=jnp.float32)
    vc = v * (1.0 / NORMALIZE_SCALE)
    vc = vc / (1.0 + jnp.abs(vc))
    enc = _fast_sin(vc * (freq * math.pi) + phase)
    rpe_ref[...] = jnp.where(israw, vc, enc)
    col = jax.lax.broadcasted_iota(jnp.int32, (rb, FDIM), 1)
    self_ref[...] = jnp.where((col % 65) >= 33, 1.0, 0.0)


def kernel(positions, k):
    B, L, _ = positions.shape
    kk = min(16, L - 1)
    S = L // 2
    idx_s, dxs_s, dys_s = _sc_knn(positions.reshape(B, 2 * L), L, kk, S)

    RB = 256
    px_r = positions[..., 0:1]
    py_r = positions[..., 1:2]
    px_c = positions[..., 0].reshape(B, 1, L)
    py_c = positions[..., 1].reshape(B, 1, L)
    grid1 = (B, S // RB)
    r_spec = pl.BlockSpec((1, RB, 1), lambda b, r: (b, r, 0))
    c_spec = pl.BlockSpec((1, 1, L), lambda b, r: (b, 0, 0))
    o_spec = pl.BlockSpec((1, RB, kk), lambda b, r: (b, r, 0))
    idx_t, dxs_t, dys_t = pl.pallas_call(
        functools.partial(_topk_body, rb=RB, l=L, kk=kk),
        grid=grid1,
        in_specs=[r_spec, r_spec, c_spec, c_spec],
        out_specs=[o_spec, o_spec, o_spec],
        out_shape=[
            jax.ShapeDtypeStruct((B, S, kk), jnp.int32),
            jax.ShapeDtypeStruct((B, S, kk), jnp.float32),
            jax.ShapeDtypeStruct((B, S, kk), jnp.float32),
        ],
    )(px_r, py_r, px_c, py_c)

    idx = jnp.concatenate([idx_t, idx_s.reshape(B, L - S, kk)], axis=1)

    def encode(dxh, dyh):
        NRh = dxh.shape[0]
        RB2 = 256
        v_spec = pl.BlockSpec((RB2, kk), lambda i: (i, 0))
        return pl.pallas_call(
            functools.partial(_encode_body, rb=RB2, kk=kk),
            grid=(NRh // RB2,),
            in_specs=[v_spec, v_spec],
            out_specs=[
                pl.BlockSpec((RB2, kk * FDIM), lambda i: (i, 0)),
                v_spec,
                pl.BlockSpec((RB2, FDIM), lambda i: (i, 0)),
            ],
            out_shape=[
                jax.ShapeDtypeStruct((NRh, kk * FDIM), jnp.float32),
                jax.ShapeDtypeStruct((NRh, kk), jnp.float32),
                jax.ShapeDtypeStruct((NRh, FDIM), jnp.float32),
            ],
        )(dxh, dyh)

    rpe_t, dist_t, self_t = encode(dxs_t.reshape(B * S, kk),
                                   dys_t.reshape(B * S, kk))
    rpe_s, dist_s, self_s = encode(dxs_s, dys_s)

    rpe = jnp.concatenate([rpe_t.reshape(B, S, kk, FDIM),
                           rpe_s.reshape(B, L - S, kk, FDIM)], axis=1)
    dist = jnp.concatenate([dist_t.reshape(B, S, kk),
                            dist_s.reshape(B, L - S, kk)], axis=1)
    self_rpe = jnp.concatenate([self_t.reshape(B, S, 1, FDIM),
                                self_s.reshape(B, L - S, 1, FDIM)], axis=1)
    topk_indices = idx + jnp.asarray(k - kk, dtype=idx.dtype)
    return (topk_indices, rpe, self_rpe, dist)

# --- scband reference (transcript-rebuilt; emitter-appended) ---
"""Pipeline reference for scband-local-attention-cache-32856499815179 (READ-ONLY COPY).

The authoritative reference and input builder live on the scoring server;
editing this copy changes nothing except your own understanding.
"""

import jax, jax.numpy as jnp
import numpy as np
import math

NUM_BANDS = 32
MAX_FREQ = 32
NORMALIZE_SCALE = 6.87


def fourier_encode(x, max_freq, num_bands):
    freqs = jnp.linspace(1.0, float(max_freq), num_bands, dtype=x.dtype)
    x_exp = x[..., None]
    angles = x_exp * freqs * math.pi
    return jnp.concatenate([x_exp, jnp.sin(angles), jnp.cos(angles)], axis=-1)


def rpe_encode(delta_x, delta_y):
    dx = delta_x / NORMALIZE_SCALE
    dy = delta_y / NORMALIZE_SCALE
    dx_comp = dx / (1.0 + jnp.abs(dx))
    dy_comp = dy / (1.0 + jnp.abs(dy))
    x_enc = fourier_encode(dx_comp, MAX_FREQ, NUM_BANDS)
    y_enc = fourier_encode(dy_comp, MAX_FREQ, NUM_BANDS)
    return jnp.concatenate([x_enc, y_enc], axis=-1)


def setup_inputs(seed: int = 0):
    key = jax.random.key(seed)
    positions = jax.random.normal(key, (4, 2048, 2), dtype=jnp.float32) * 50.0
    return {"positions": positions, "k": 16}


def reference(positions, k):
    B, L, _ = positions.shape
    kk = min(16, L - 1)
    # pairwise squared distances [B, L, L]
    diff_all = positions[:, :, None, :] - positions[:, None, :, :]
    dist_sq_all = (diff_all ** 2).sum(axis=-1)
    mask = jnp.eye(L, dtype=bool)
    dist_sq_all = jnp.where(mask[None, :, :], jnp.inf, dist_sq_all)
    # smallest-k via top_k on negated distances
    _, topk_indices = jax.lax.top_k(-dist_sq_all, kk)
    topk_indices = topk_indices + jnp.asarray(k - kk, dtype=topk_indices.dtype)
    # gather neighbor positions: per-batch gather over node axis
    neighbor_pos = jax.vmap(lambda p, idx: p[idx])(positions, topk_indices)  # [B, L, k, 2]
    delta = neighbor_pos - positions[:, :, None, :]
    delta_x = delta[..., 0]
    delta_y = delta[..., 1]
    distances = jnp.sqrt(delta_x ** 2 + delta_y ** 2 + 1e-08)
    rpe = rpe_encode(delta_x, delta_y)
    self_delta_x = jnp.zeros((B, L, 1), dtype=positions.dtype)
    self_delta_y = jnp.zeros((B, L, 1), dtype=positions.dtype)
    self_rpe = rpe_encode(self_delta_x, self_delta_y)
    return (topk_indices, rpe, self_rpe, distances)

if __name__ == "__main__":
    import jax
    _d = setup_inputs()
    print(jax.jit(kernel)(*tuple(_d.values())))

</pallas_src>

<mosaic_0001>
#map = affine_map<(d0, d1) -> (0, 0)>
module attributes {stable_mosaic.version = 14 : i64} {
  func.func @knn(%arg0: i32, %arg1: i32, %arg2: memref<4x4096xf32, #tpu.memory_space<hbm>>, %arg3: memref<4096x16xi32, #tpu.memory_space<hbm>>, %arg4: memref<4096x16xf32, #tpu.memory_space<hbm>>, %arg5: memref<4096x16xf32, #tpu.memory_space<hbm>>, %arg6: memref<4096xf32, #tpu.memory_space<vmem>>, %arg7: memref<2064xf32, #tpu.memory_space<vmem>>, %arg8: memref<2064xi32, #tpu.memory_space<vmem>>, %arg9: memref<128x16xi32, #tpu.memory_space<vmem>>, %arg10: memref<128x16xf32, #tpu.memory_space<vmem>>, %arg11: memref<128x16xf32, #tpu.memory_space<vmem>>) attributes {dimension_semantics = [#tpu.dimension_semantics<core_parallel>, #tpu.dimension_semantics<subcore_parallel>], iteration_bounds = array<i64: 2, 16>, scalar_prefetch = 0 : i64, scratch_operands = 6 : i64, tpu.core_type = #tpu.core_type<sc_vector_subcore>, window_params = [{transform_indices = #map}, {transform_indices = #map}, {transform_indices = #map}, {transform_indices = #map}]} {
    %mul3A = arith.constant 2 : i32
    %mul3A_0 = arith.muli %arg1, %mul3A : i32
    %add3A = arith.addi %mul3A_0, %arg0 : i32
    %jit3A = arith.constant 8 : i32
    %div3A = arith.divsi %add3A, %jit3A : i32
    %sign3A = arith.constant 0 : i32
    %sign3A_1 = arith.cmpi sgt, %add3A, %sign3A : i32
    %sign3A_2 = arith.extui %sign3A_1 : i1 to i32
    %sign3A_3 = arith.constant 0 : i32
    %sign3A_4 = arith.cmpi slt, %add3A, %sign3A_3 : i32
    %sign3A_5 = arith.extui %sign3A_4 : i1 to i32
    %sign3A_6 = arith.subi %sign3A_2, %sign3A_5 : i32
    %sign3A_7 = arith.constant 0 : i32
    %sign3A_8 = arith.cmpi sgt, %jit3A, %sign3A_7 : i32
    %sign3A_9 = arith.extui %sign3A_8 : i1 to i32
    %sign3A_10 = arith.constant 0 : i32
    %sign3A_11 = arith.cmpi slt, %jit3A, %sign3A_10 : i32
    %sign3A_12 = arith.extui %sign3A_11 : i1 to i32
    %sign3A_13 = arith.subi %sign3A_9, %sign3A_12 : i32
    %ne3A = arith.cmpi ne, %sign3A_6, %sign3A_13 : i32
    %rem3A = arith.remsi %add3A, %jit3A : i32
    %ne3A_14 = arith.constant 0 : i32
    %ne3A_15 = arith.cmpi ne, %rem3A, %ne3A_14 : i32
    %and3A = arith.andi %ne3A, %ne3A_15 : i1
    %sub3A = arith.constant 1 : i32
    %sub3A_16 = arith.subi %div3A, %sub3A : i32
    %select_n3A = arith.select %and3A, %sub3A_16, %div3A : i32
    %jit3A_17 = arith.constant 8 : i32
    %eq3A = arith.constant 0 : i32
    %eq3A_18 = arith.cmpi eq, %jit3A_17, %eq3A : i32
    %jit3A_19 = arith.constant 1 : i32
    %select_n3A_20 = arith.select %eq3A_18, %jit3A_19, %jit3A_17 : i32
    %rem3A_21 = arith.remsi %add3A, %select_n3A_20 : i32
    %ne3A_22 = arith.constant 0 : i32
    %ne3A_23 = arith.cmpi ne, %rem3A_21, %ne3A_22 : i32
    %lt3A = arith.constant 0 : i32
    %lt3A_24 = arith.cmpi slt, %rem3A_21, %lt3A : i32
    %lt3A_25 = arith.constant 0 : i32
    %lt3A_26 = arith.cmpi slt, %select_n3A_20, %lt3A_25 : i32
    %ne3A_27 = arith.xori %lt3A_24, %lt3A_26 : i1
    %and3A_28 = arith.andi %ne3A_27, %ne3A_23 : i1
    %add3A_29 = arith.addi %rem3A_21, %select_n3A_20 : i32
    %select_n3A_30 = arith.select %and3A_28, %add3A_29, %rem3A_21 : i32
    %mul3A_31 = arith.constant 128 : i32
    %mul3A_32 = arith.muli %select_n3A_30, %mul3A_31 : i32
    %add3A_33 = arith.constant 1024 : i32
    %add3A_34 = arith.addi %add3A_33, %mul3A_32 : i32
    "tpu.region"() ({
      %run_scoped3A = tpu.sem_alloc : memref<!tpu.dma_semaphore, #tpu.memory_space<semaphore_mem>>
      %dma_start3A = arith.constant 0 : i32
      %dma_start3A_67 = tpu.memref_slice %arg2[%select_n3A, %dma_start3A] : memref<4x4096xf32, #tpu.memory_space<hbm>> -> memref<1x4096xf32, #tpu.memory_space<hbm>>
      %dma_start3A_68 = tpu.memref_squeeze %dma_start3A_67 : memref<1x4096xf32, #tpu.memory_space<hbm>> -> memref<4096xf32, #tpu.memory_space<hbm>>
      %dma_start3A_69 = arith.constant 0 : i32
      %dma_start3A_70 = tpu.memref_slice %arg2[%select_n3A, %dma_start3A_69] : memref<4x4096xf32, #tpu.memory_space<hbm>> -> memref<1x4096xf32, #tpu.memory_space<hbm>>
      %dma_start3A_71 = tpu.memref_squeeze %dma_start3A_70 : memref<1x4096xf32, #tpu.memory_space<hbm>> -> memref<4096xf32, #tpu.memory_space<hbm>>
      tpu.enqueue_dma source(%dma_start3A_71 : memref<4096xf32, #tpu.memory_space<hbm>>) target(%arg6 : memref<4096xf32, #tpu.memory_space<vmem>>) target_semaphore(%run_scoped3A : memref<!tpu.dma_semaphore, #tpu.memory_space<semaphore_mem>>)
      %dma_wait3A = arith.constant 0 : i32
      %dma_wait3A_72 = tpu.memref_slice %arg2[%select_n3A, %dma_wait3A] : memref<4x4096xf32, #tpu.memory_space<hbm>> -> memref<1x4096xf32, #tpu.memory_space<hbm>>
      %dma_wait3A_73 = tpu.memref_squeeze %dma_wait3A_72 : memref<1x4096xf32, #tpu.memory_space<hbm>> -> memref<4096xf32, #tpu.memory_space<hbm>>
      %dma_wait3A_74 = arith.constant 0 : i32
      %dma_wait3A_75 = tpu.memref_slice %arg2[%select_n3A, %dma_wait3A_74] : memref<4x4096xf32, #tpu.memory_space<hbm>> -> memref<1x4096xf32, #tpu.memory_space<hbm>>
      %dma_wait3A_76 = tpu.memref_squeeze %dma_wait3A_75 : memref<1x4096xf32, #tpu.memory_space<hbm>> -> memref<4096xf32, #tpu.memory_space<hbm>>
      tpu.wait_dma2 semaphore(%run_scoped3A : memref<!tpu.dma_semaphore, #tpu.memory_space<semaphore_mem>>) src(%dma_wait3A_76 : memref<4096xf32, #tpu.memory_space<hbm>>) dst(%arg6 : memref<4096xf32, #tpu.memory_space<vmem>>)
      tpu.yield
    }) : () -> ()
    %broadcast_in_dim3A = arith.constant 0x7F800000 : f32
    %broadcast_in_dim3A_35 = vector.broadcast %broadcast_in_dim3A : f32 to vector<16xf32>
    %swap3A = arith.constant 2048 : index
    %swap3A_36 = tpu.vector_load %arg7[%swap3A] {strides = array<i32>} : memref<2064xf32, #tpu.memory_space<vmem>>, vector<16xf32>,
    tpu.vector_store %arg7[%swap3A], %broadcast_in_dim3A_35 {strides = array<i32>} : memref<2064xf32, #tpu.memory_space<vmem>>, vector<16xf32>,
    %iota3A = tpu.iota {dimensions = array<i32: 0>} : vector<16xi32>
    %mul3A_37 = arith.constant 2 : i32
    %mul3A_38 = vector.broadcast %mul3A_37 : i32 to vector<16xi32>
    %mul3A_39 = arith.muli %iota3A, %mul3A_38 : vector<16xi32>
    %scan3A = arith.constant 0 : i32
    %scan3A_40 = arith.constant 0x7F800000 : f32
    %scan3A_41 = arith.constant 0 : i32
    %scan3A_42 = arith.constant 128 : i32
    %scan3A_43 = arith.addi %scan3A_41, %scan3A_42 : i32
    %scan3A_44 = arith.constant 1 : i32
    scf.for %scan3A_67 = %scan3A_41 to %scan3A_43 step %scan3A_44  : i32 {
      %add3A_68 = arith.addi %add3A_34, %scan3A_67 : i32
      %mul3A_69 = arith.constant 2 : i32
      %mul3A_70 = arith.muli %mul3A_69, %add3A_68 : i32
      %broadcast_in_dim3A_71 = vector.broadcast %mul3A_70 : i32 to vector<16xi32>
      %gather3A = tpu.vector_load_idx %arg6[%broadcast_in_dim3A_71] : memref<4096xf32, #tpu.memory_space<vmem>>[vector<16xi32>], vector<16xf32>,
      %add3A_72 = arith.constant 1 : i32
      %add3A_73 = vector.broadcast %add3A_72 : i32 to vector<16xi32>
      %add3A_74 = arith.addi %broadcast_in_dim3A_71, %add3A_73 : vector<16xi32>
      %gather3A_75 = tpu.vector_load_idx %arg6[%add3A_74] : memref<4096xf32, #tpu.memory_space<vmem>>[vector<16xi32>], vector<16xf32>,
      %broadcast_in_dim3A_76 = vector.broadcast %scan3A_40 : f32 to vector<16xf32>
      tpu.vector_store_idx %arg6[%broadcast_in_dim3A_71], %broadcast_in_dim3A_76 : memref<4096xf32, #tpu.memory_space<vmem>>[vector<16xi32>], vector<16xf32>,
      %broadcast_in_dim3A_77 = vector.broadcast %scan3A_40 : f32 to vector<16xf32>
      %scan3A_78 = arith.constant 0 : i32
      %scan3A_79 = arith.constant 128 : i32
      %scan3A_80 = arith.addi %scan3A_78, %scan3A_79 : i32
      %scan3A_81 = arith.constant 4 : i32
      %scan3A_82 = scf.for %scan3A_161 = %scan3A_78 to %scan3A_80 step %scan3A_81 iter_args(%scan3A_162 = %broadcast_in_dim3A_77) -> (vector<16xf32>)  : i32 {
        %mul3A_163 = arith.constant 32 : i32
        %mul3A_164 = arith.muli %scan3A_161, %mul3A_163 : i32
        %add3A_165 = vector.broadcast %mul3A_164 : i32 to vector<16xi32>
        %add3A_166 = arith.addi %add3A_165, %mul3A_39 : vector<16xi32>
        %gather3A_167 = tpu.vector_load_idx %arg6[%add3A_166] : memref<4096xf32, #tpu.memory_space<vmem>>[vector<16xi32>], vector<16xf32>,
        %add3A_168 = arith.constant 1 : i32
        %add3A_169 = vector.broadcast %add3A_168 : i32 to vector<16xi32>
        %add3A_170 = arith.addi %add3A_166, %add3A_169 : vector<16xi32>
        %gather3A_171 = tpu.vector_load_idx %arg6[%add3A_170] : memref<4096xf32, #tpu.memory_space<vmem>>[vector<16xi32>], vector<16xf32>,
        %sub3A_172 = arith.subf %gather3A_167, %gather3A : vector<16xf32>
        %sub3A_173 = arith.subf %gather3A_171, %gather3A_75 : vector<16xf32>
        %mul3A_174 = arith.mulf %sub3A_172, %sub3A_172 : vector<16xf32>
        %mul3A_175 = arith.mulf %sub3A_173, %sub3A_173 : vector<16xf32>
        %add3A_176 = arith.addf %mul3A_174, %mul3A_175 : vector<16xf32>
        %mul3A_177 = arith.constant 16 : i32
        %mul3A_178 = arith.muli %scan3A_161, %mul3A_177 : i32
        %multiple_of3A = tpu.assume_multiple %mul3A_178, 16 : i32
        %swap3A_179 = arith.index_cast %multiple_of3A : i32 to index
        %swap3A_180 = tpu.vector_load %arg7[%swap3A_179] {strides = array<i32>} : memref<2064xf32, #tpu.memory_space<vmem>>, vector<16xf32>,
        tpu.vector_store %arg7[%swap3A_179], %add3A_176 {strides = array<i32>} : memref<2064xf32, #tpu.memory_space<vmem>>, vector<16xf32>,
        %min3A = arith.minimumf %scan3A_162, %add3A_176 : vector<16xf32>
        %scan3A_181 = arith.constant 1 : i32
        %scan3A_182 = arith.addi %scan3A_161, %scan3A_181 : i32
        %mul3A_183 = arith.constant 32 : i32
        %mul3A_184 = arith.muli %scan3A_182, %mul3A_183 : i32
        %add3A_185 = vector.broadcast %mul3A_184 : i32 to vector<16xi32>
        %add3A_186 = arith.addi %add3A_185, %mul3A_39 : vector<16xi32>
        %gather3A_187 = tpu.vector_load_idx %arg6[%add3A_186] : memref<4096xf32, #tpu.memory_space<vmem>>[vector<16xi32>], vector<16xf32>,
        %add3A_188 = arith.constant 1 : i32
        %add3A_189 = vector.broadcast %add3A_188 : i32 to vector<16xi32>
        %add3A_190 = arith.addi %add3A_186, %add3A_189 : vector<16xi32>
        %gather3A_191 = tpu.vector_load_idx %arg6[%add3A_190] : memref<4096xf32, #tpu.memory_space<vmem>>[vector<16xi32>], vector<16xf32>,
        %sub3A_192 = arith.subf %gather3A_187, %gather3A : vector<16xf32>
        %sub3A_193 = arith.subf %gather3A_191, %gather3A_75 : vector<16xf32>
        %mul3A_194 = arith.mulf %sub3A_192, %sub3A_192 : vector<16xf32>
        %mul3A_195 = arith.mulf %sub3A_193, %sub3A_193 : vector<16xf32>
        %add3A_196 = arith.addf %mul3A_194, %mul3A_195 : vector<16xf32>
        %mul3A_197 = arith.constant 16 : i32
        %mul3A_198 = arith.muli %scan3A_182, %mul3A_197 : i32
        %multiple_of3A_199 = tpu.assume_multiple %mul3A_198, 16 : i32
        %swap3A_200 = arith.index_cast %multiple_of3A_199 : i32 to index
        %swap3A_201 = tpu.vector_load %arg7[%swap3A_200] {strides = array<i32>} : memref<2064xf32, #tpu.memory_space<vmem>>, vector<16xf32>,
        tpu.vector_store %arg7[%swap3A_200], %add3A_196 {strides = array<i32>} : memref<2064xf32, #tpu.memory_space<vmem>>, vector<16xf32>,
        %min3A_202 = arith.minimumf %min3A, %add3A_196 : vector<16xf32>
        %scan3A_203 = arith.constant 2 : i32
        %scan3A_204 = arith.addi %scan3A_161, %scan3A_203 : i32
        %mul3A_205 = arith.constant 32 : i32
        %mul3A_206 = arith.muli %scan3A_204, %mul3A_205 : i32
        %add3A_207 = vector.broadcast %mul3A_206 : i32 to vector<16xi32>
        %add3A_208 = arith.addi %add3A_207, %mul3A_39 : vector<16xi32>
        %gather3A_209 = tpu.vector_load_idx %arg6[%add3A_208] : memref<4096xf32, #tpu.memory_space<vmem>>[vector<16xi32>], vector<16xf32>,
        %add3A_210 = arith.constant 1 : i32
        %add3A_211 = vector.broadcast %add3A_210 : i32 to vector<16xi32>
        %add3A_212 = arith.addi %add3A_208, %add3A_211 : vector<16xi32>
        %gather3A_213 = tpu.vector_load_idx %arg6[%add3A_212] : memref<4096xf32, #tpu.memory_space<vmem>>[vector<16xi32>], vector<16xf32>,
        %sub3A_214 = arith.subf %gather3A_209, %gather3A : vector<16xf32>
        %sub3A_215 = arith.subf %gather3A_213, %gather3A_75 : vector<16xf32>
        %mul3A_216 = arith.mulf %sub3A_214, %sub3A_214 : vector<16xf32>
        %mul3A_217 = arith.mulf %sub3A_215, %sub3A_215 : vector<16xf32>
        %add3A_218 = arith.addf %mul3A_216, %mul3A_217 : vector<16xf32>
        %mul3A_219 = arith.constant 16 : i32
        %mul3A_220 = arith.muli %scan3A_204, %mul3A_219 : i32
        %multiple_of3A_221 = tpu.assume_multiple %mul3A_220, 16 : i32
        %swap3A_222 = arith.index_cast %multiple_of3A_221 : i32 to index
        %swap3A_223 = tpu.vector_load %arg7[%swap3A_222] {strides = array<i32>} : memref<2064xf32, #tpu.memory_space<vmem>>, vector<16xf32>,
        tpu.vector_store %arg7[%swap3A_222], %add3A_218 {strides = array<i32>} : memref<2064xf32, #tpu.memory_space<vmem>>, vector<16xf32>,
        %min3A_224 = arith.minimumf %min3A_202, %add3A_218 : vector<16xf32>
        %scan3A_225 = arith.constant 3 : i32
        %scan3A_226 = arith.addi %scan3A_161, %scan3A_225 : i32
        %mul3A_227 = arith.constant 32 : i32
        %mul3A_228 = arith.muli %scan3A_226, %mul3A_227 : i32
        %add3A_229 = vector.broadcast %mul3A_228 : i32 to vector<16xi32>
        %add3A_230 = arith.addi %add3A_229, %mul3A_39 : vector<16xi32>
        %gather3A_231 = tpu.vector_load_idx %arg6[%add3A_230] : memref<4096xf32, #tpu.memory_space<vmem>>[vector<16xi32>], vector<16xf32>,
        %add3A_232 = arith.constant 1 : i32
        %add3A_233 = vector.broadcast %add3A_232 : i32 to vector<16xi32>
        %add3A_234 = arith.addi %add3A_230, %add3A_233 : vector<16xi32>
        %gather3A_235 = tpu.vector_load_idx %arg6[%add3A_234] : memref<4096xf32, #tpu.memory_space<vmem>>[vector<16xi32>], vector<16xf32>,
        %sub3A_236 = arith.subf %gather3A_231, %gather3A : vector<16xf32>
        %sub3A_237 = arith.subf %gather3A_235, %gather3A_75 : vector<16xf32>
        %mul3A_238 = arith.mulf %sub3A_236, %sub3A_236 : vector<16xf32>
        %mul3A_239 = arith.mulf %sub3A_237, %sub3A_237 : vector<16xf32>
        %add3A_240 = arith.addf %mul3A_238, %mul3A_239 : vector<16xf32>
        %mul3A_241 = arith.constant 16 : i32
        %mul3A_242 = arith.muli %scan3A_226, %mul3A_241 : i32
        %multiple_of3A_243 = tpu.assume_multiple %mul3A_242, 16 : i32
        %swap3A_244 = arith.index_cast %multiple_of3A_243 : i32 to index
        %swap3A_245 = tpu.vector_load %arg7[%swap3A_244] {strides = array<i32>} : memref<2064xf32, #tpu.memory_space<vmem>>, vector<16xf32>,
        tpu.vector_store %arg7[%swap3A_244], %add3A_240 {strides = array<i32>} : memref<2064xf32, #tpu.memory_space<vmem>>, vector<16xf32>,
        %min3A_246 = arith.minimumf %min3A_224, %add3A_240 : vector<16xf32>
        scf.yield %min3A_246 : vector<16xf32>
      }
      %scan3A_83 = arith.constant 128 : i32
      %reduce_max3A = arith.constant true
      %reduce_max3A_84 = vector.broadcast %reduce_max3A : i1 to vector<16xi1>
      %reduce_max3A_85 = tpu.scan <max>, %scan3A_82 masked %reduce_max3A_84 : vector<16xf32>, vector<16xi1> -> vector<16xf32>
      %reduce_max3A_86 = vector.extract %reduce_max3A_85[15] : f32 from vector<16xf32>
      %broadcast_in_dim3A_87 = vector.broadcast %reduce_max3A_86 : f32 to vector<16xf32>
      %scan3A_88 = arith.constant 0 : i32
      %scan3A_89 = arith.constant 0 : i32
      %scan3A_90 = arith.constant 128 : i32
      %scan3A_91 = arith.addi %scan3A_89, %scan3A_90 : i32
      %scan3A_92 = arith.constant 2 : i32
      %scan3A_93 = scf.for %scan3A_161 = %scan3A_89 to %scan3A_91 step %scan3A_92 iter_args(%scan3A_162 = %scan3A_88) -> (i32)  : i32 {
        %mul3A_163 = arith.constant 16 : i32
        %mul3A_164 = arith.muli %scan3A_161, %mul3A_163 : i32
        %multiple_of3A = tpu.assume_multiple %mul3A_164, 16 : i32
        %get3A = arith.index_cast %multiple_of3A : i32 to index
        %get3A_165 = tpu.vector_load %arg7[%get3A] {strides = array<i32>} : memref<2064xf32, #tpu.memory_space<vmem>>, vector<16xf32>,
        %le3A = arith.cmpf ole, %get3A_165, %broadcast_in_dim3A_87 : vector<16xf32>
        %all_reduce_population_count3A = tpu.all_reduce %le3A {dim = 0 : i64, kind = #tpu.reduction_kind<sum>} : vector<16xi1> -> vector<16xi32>
        %mul3A_166 = arith.constant 16 : i32
        %mul3A_167 = arith.muli %scan3A_161, %mul3A_166 : i32
        %add3A_168 = vector.broadcast %mul3A_167 : i32 to vector<16xi32>
        %add3A_169 = arith.addi %add3A_168, %iota3A : vector<16xi32>
        %swap3A_170 = arith.index_cast %scan3A_162 : i32 to index
        %swap3A_171 = tpu.vector_load %arg8[%swap3A_170] masked %le3A {strides = array<i32>} : memref<2064xi32, #tpu.memory_space<vmem>>, vector<16xi32>, vector<16xi1>
        tpu.vector_store %arg8[%swap3A_170], %add3A_169 masked %le3A {strides = array<i32>} : memref<2064xi32, #tpu.memory_space<vmem>>, vector<16xi32>, vector<16xi1>
        %slice3A = vector.extract_strided_slice %all_reduce_population_count3A {offsets = [0], sizes = [1], strides = [1]} : vector<16xi32> to vector<1xi32>
        %squeeze3A = vector.extract %slice3A[0] : i32 from vector<1xi32>
        %add3A_172 = arith.addi %scan3A_162, %squeeze3A : i32
        %scan3A_173 = arith.constant 1 : i32
        %scan3A_174 = arith.addi %scan3A_161, %scan3A_173 : i32
        %mul3A_175 = arith.constant 16 : i32
        %mul3A_176 = arith.muli %scan3A_174, %mul3A_175 : i32
        %multiple_of3A_177 = tpu.assume_multiple %mul3A_176, 16 : i32
        %get3A_178 = arith.index_cast %multiple_of3A_177 : i32 to index
        %get3A_179 = tpu.vector_load %arg7[%get3A_178] {strides = array<i32>} : memref<2064xf32, #tpu.memory_space<vmem>>, vector<16xf32>,
        %le3A_180 = arith.cmpf ole, %get3A_179, %broadcast_in_dim3A_87 : vector<16xf32>
        %all_reduce_population_count3A_181 = tpu.all_reduce %le3A_180 {dim = 0 : i64, kind = #tpu.reduction_kind<sum>} : vector<16xi1> -> vector<16xi32>
        %mul3A_182 = arith.constant 16 : i32
        %mul3A_183 = arith.muli %scan3A_174, %mul3A_182 : i32
        %add3A_184 = vector.broadcast %mul3A_183 : i32 to vector<16xi32>
        %add3A_185 = arith.addi %add3A_184, %iota3A : vector<16xi32>
        %swap3A_186 = arith.index_cast %add3A_172 : i32 to index
        %swap3A_187 = tpu.vector_load %arg8[%swap3A_186] masked %le3A_180 {strides = array<i32>} : memref<2064xi32, #tpu.memory_space<vmem>>, vector<16xi32>, vector<16xi1>
        tpu.vector_store %arg8[%swap3A_186], %add3A_185 masked %le3A_180 {strides = array<i32>} : memref<2064xi32, #tpu.memory_space<vmem>>, vector<16xi32>, vector<16xi1>
        %slice3A_188 = vector.extract_strided_slice %all_reduce_population_count3A_181 {offsets = [0], sizes = [1], strides = [1]} : vector<16xi32> to vector<1xi32>
        %squeeze3A_189 = vector.extract %slice3A_188[0] : i32 from vector<1xi32>
        %add3A_190 = arith.addi %add3A_172, %squeeze3A_189 : i32
        scf.yield %add3A_190 : i32
      }
      %scan3A_94 = arith.constant 128 : i32
      %broadcast_in_dim3A_95 = arith.constant 2048 : i32
      %broadcast_in_dim3A_96 = vector.broadcast %broadcast_in_dim3A_95 : i32 to vector<16xi32>
      %swap3A_97 = arith.index_cast %scan3A_93 : i32 to index
      %swap3A_98 = tpu.vector_load %arg8[%swap3A_97] {strides = array<i32>} : memref<2064xi32, #tpu.memory_space<vmem>>, vector<16xi32>,
      tpu.vector_store %arg8[%swap3A_97], %broadcast_in_dim3A_96 {strides = array<i32>} : memref<2064xi32, #tpu.memory_space<vmem>>, vector<16xi32>,
      %add3A_99 = arith.constant 15 : i32
      %add3A_100 = arith.addi %scan3A_93, %add3A_99 : i32
      %jit3A_101 = arith.constant 16 : i32
      %div3A_102 = arith.divsi %add3A_100, %jit3A_101 : i32
      %sign3A_103 = arith.constant 0 : i32
      %sign3A_104 = arith.cmpi sgt, %add3A_100, %sign3A_103 : i32
      %sign3A_105 = arith.extui %sign3A_104 : i1 to i32
      %sign3A_106 = arith.constant 0 : i32
      %sign3A_107 = arith.cmpi slt, %add3A_100, %sign3A_106 : i32
      %sign3A_108 = arith.extui %sign3A_107 : i1 to i32
      %sign3A_109 = arith.subi %sign3A_105, %sign3A_108 : i32
      %sign3A_110 = arith.constant 0 : i32
      %sign3A_111 = arith.cmpi sgt, %jit3A_101, %sign3A_110 : i32
      %sign3A_112 = arith.extui %sign3A_111 : i1 to i32
      %sign3A_113 = arith.constant 0 : i32
      %sign3A_114 = arith.cmpi slt, %jit3A_101, %sign3A_113 : i32
      %sign3A_115 = arith.extui %sign3A_114 : i1 to i32
      %sign3A_116 = arith.subi %sign3A_112, %sign3A_115 : i32
      %ne3A_117 = arith.cmpi ne, %sign3A_109, %sign3A_116 : i32
      %rem3A_118 = arith.remsi %add3A_100, %jit3A_101 : i32
      %ne3A_119 = arith.constant 0 : i32
      %ne3A_120 = arith.cmpi ne, %rem3A_118, %ne3A_119 : i32
      %and3A_121 = arith.andi %ne3A_117, %ne3A_120 : i1
      %sub3A_122 = arith.constant 1 : i32
      %sub3A_123 = arith.subi %div3A_102, %sub3A_122 : i32
      %select_n3A_124 = arith.select %and3A_121, %sub3A_123, %div3A_102 : i32
      %broadcast_in_dim3A_125 = vector.broadcast %scan3A_40 : f32 to vector<16xf32>
      %broadcast_in_dim3A_126 = arith.constant 2048 : i32
      %broadcast_in_dim3A_127 = vector.broadcast %broadcast_in_dim3A_126 : i32 to vector<16xi32>
      %broadcast_in_dim3A_128 = vector.broadcast %scan3A_40 : f32 to vector<16xf32>
      %while3A = arith.constant 0 : i32
      %while3A_129 = arith.subi %select_n3A_124, %while3A : i32
      %while3A_130 = arith.addi %while3A, %while3A_129 : i32
      %while3A_131 = arith.constant 1 : i32
      %while3A_132 = arith.divsi %while3A_129, %while3A_131 : i32
      %while3A_133 = arith.muli %while3A_132, %while3A_131 : i32
      %while3A_134 = arith.addi %while3A, %while3A_133 : i32
      %while3A_135 = arith.constant 1 : i32
      %while3A_136:3 = scf.for %while3A_161 = %while3A to %while3A_134 step %while3A_135 iter_args(%while3A_162 = %broadcast_in_dim3A_125, %while3A_163 = %broadcast_in_dim3A_127, %while3A_164 = %broadcast_in_dim3A_128) -> (vector<16xf32>, vector<16xi32>, vector<16xf32>)  : i32 {
        %mul3A_165 = arith.constant 16 : i32
        %mul3A_166 = arith.muli %while3A_161, %mul3A_165 : i32
        %get3A = arith.index_cast %mul3A_166 : i32 to index
        %get3A_167 = tpu.vector_load %arg8[%get3A] {strides = array<i32>} : memref<2064xi32, #tpu.memory_space<vmem>>, vector<16xi32>,
        %gather3A_168 = tpu.vector_load_idx %arg7[%get3A_167] : memref<2064xf32, #tpu.memory_space<vmem>>[vector<16xi32>], vector<16xf32>,
        %lt3A_169 = arith.cmpf olt, %gather3A_168, %while3A_164 : vector<16xf32>
        %all_reduce_population_count3A = tpu.all_reduce %lt3A_169 {dim = 0 : i64, kind = #tpu.reduction_kind<sum>} : vector<16xi1> -> vector<16xi32>
        %slice3A = vector.extract_strided_slice %all_reduce_population_count3A {offsets = [0], sizes = [1], strides = [1]} : vector<16xi32> to vector<1xi32>
        %squeeze3A = vector.extract %slice3A[0] : i32 from vector<1xi32>
        %gt3A = arith.constant 0 : i32
        %gt3A_170 = arith.cmpi sgt, %squeeze3A, %gt3A : i32
        %convert_element_type3A = arith.extui %gt3A_170 : i1 to i32
        %cond3A = arith.constant 0 : i32
        %cond3A_171 = arith.cmpi ne, %convert_element_type3A, %cond3A : i32
        %cond3A_172:3 = scf.if %cond3A_171 -> (vector<16xf32>, vector<16xi32>, vector<16xf32>) {
          %masked_sort3A = arith.constant dense<true> : vector<16xi1>
          %masked_sort3A_173, %masked_sort3A_174, %masked_sort3A_175 = tpu.sort %gather3A_168, %get3A_167 masked %masked_sort3A {descending = true} : (vector<16xf32>, vector<16xi32>, vector<16xi1>) -> (vector<16xi1>, vector<16xf32>, vector<16xi32>)
          %lt3A_176 = arith.cmpf olt, %masked_sort3A_174, %while3A_162 : vector<16xf32>
          %select_n3A_177 = arith.select %lt3A_176, %masked_sort3A_174, %while3A_162 : vector<16xi1>, vector<16xf32>
          %select_n3A_178 = arith.select %lt3A_176, %masked_sort3A_175, %while3A_163 : vector<16xi1>, vector<16xi32>
          %masked_sort3A_179 = arith.constant dense<true> : vector<16xi1>
          %masked_sort3A_180, %masked_sort3A_181, %masked_sort3A_182 = tpu.sort %select_n3A_177, %select_n3A_178 masked %masked_sort3A_179 : (vector<16xf32>, vector<16xi32>, vector<16xi1>) -> (vector<16xi1>, vector<16xf32>, vector<16xi32>)
          %slice3A_183 = vector.extract_strided_slice %masked_sort3A_181 {offsets = [15], sizes = [1], strides = [1]} : vector<16xf32> to vector<1xf32>
          %squeeze3A_184 = vector.extract %slice3A_183[0] : f32 from vector<1xf32>
          %broadcast_in_dim3A_185 = vector.broadcast %squeeze3A_184 : f32 to vector<16xf32>
          scf.yield %masked_sort3A_181, %masked_sort3A_182, %broadcast_in_dim3A_185 : vector<16xf32>, vector<16xi32>, vector<16xf32>
        } else {
          scf.yield %while3A_162, %while3A_163, %while3A_164 : vector<16xf32>, vector<16xi32>, vector<16xf32>
        }
        scf.yield %cond3A_172#0, %cond3A_172#1, %cond3A_172#2 : vector<16xf32>, vector<16xi32>, vector<16xf32>
      }
      %while3A_137 = arith.constant 1 : i32
      %while3A_138:3 = scf.for %while3A_161 = %while3A_134 to %while3A_130 step %while3A_137 iter_args(%while3A_162 = %while3A_136#0, %while3A_163 = %while3A_136#1, %while3A_164 = %while3A_136#2) -> (vector<16xf32>, vector<16xi32>, vector<16xf32>)  : i32 {
        %mul3A_165 = arith.constant 16 : i32
        %mul3A_166 = arith.muli %while3A_161, %mul3A_165 : i32
        %get3A = arith.index_cast %mul3A_166 : i32 to index
        %get3A_167 = tpu.vector_load %arg8[%get3A] {strides = array<i32>} : memref<2064xi32, #tpu.memory_space<vmem>>, vector<16xi32>,
        %gather3A_168 = tpu.vector_load_idx %arg7[%get3A_167] : memref<2064xf32, #tpu.memory_space<vmem>>[vector<16xi32>], vector<16xf32>,
        %lt3A_169 = arith.cmpf olt, %gather3A_168, %while3A_164 : vector<16xf32>
        %all_reduce_population_count3A = tpu.all_reduce %lt3A_169 {dim = 0 : i64, kind = #tpu.reduction_kind<sum>} : vector<16xi1> -> vector<16xi32>
        %slice3A = vector.extract_strided_slice %all_reduce_population_count3A {offsets = [0], sizes = [1], strides = [1]} : vector<16xi32> to vector<1xi32>
        %squeeze3A = vector.extract %slice3A[0] : i32 from vector<1xi32>
        %gt3A = arith.constant 0 : i32
        %gt3A_170 = arith.cmpi sgt, %squeeze3A, %gt3A : i32
        %convert_element_type3A = arith.extui %gt3A_170 : i1 to i32
        %cond3A = arith.constant 0 : i32
        %cond3A_171 = arith.cmpi ne, %convert_element_type3A, %cond3A : i32
        %cond3A_172:3 = scf.if %cond3A_171 -> (vector<16xf32>, vector<16xi32>, vector<16xf32>) {
          %masked_sort3A = arith.constant dense<true> : vector<16xi1>
          %masked_sort3A_173, %masked_sort3A_174, %masked_sort3A_175 = tpu.sort %gather3A_168, %get3A_167 masked %masked_sort3A {descending = true} : (vector<16xf32>, vector<16xi32>, vector<16xi1>) -> (vector<16xi1>, vector<16xf32>, vector<16xi32>)
          %lt3A_176 = arith.cmpf olt, %masked_sort3A_174, %while3A_162 : vector<16xf32>
          %select_n3A_177 = arith.select %lt3A_176, %masked_sort3A_174, %while3A_162 : vector<16xi1>, vector<16xf32>
          %select_n3A_178 = arith.select %lt3A_176, %masked_sort3A_175, %while3A_163 : vector<16xi1>, vector<16xi32>
          %masked_sort3A_179 = arith.constant dense<true> : vector<16xi1>
          %masked_sort3A_180, %masked_sort3A_181, %masked_sort3A_182 = tpu.sort %select_n3A_177, %select_n3A_178 masked %masked_sort3A_179 : (vector<16xf32>, vector<16xi32>, vector<16xi1>) -> (vector<16xi1>, vector<16xf32>, vector<16xi32>)
          %slice3A_183 = vector.extract_strided_slice %masked_sort3A_181 {offsets = [15], sizes = [1], strides = [1]} : vector<16xf32> to vector<1xf32>
          %squeeze3A_184 = vector.extract %slice3A_183[0] : f32 from vector<1xf32>
          %broadcast_in_dim3A_185 = vector.broadcast %squeeze3A_184 : f32 to vector<16xf32>
          scf.yield %masked_sort3A_181, %masked_sort3A_182, %broadcast_in_dim3A_185 : vector<16xf32>, vector<16xi32>, vector<16xf32>
        } else {
          scf.yield %while3A_162, %while3A_163, %while3A_164 : vector<16xf32>, vector<16xi32>, vector<16xf32>
        }
        scf.yield %cond3A_172#0, %cond3A_172#1, %cond3A_172#2 : vector<16xf32>, vector<16xi32>, vector<16xf32>
      }
      tpu.vector_store_idx %arg6[%broadcast_in_dim3A_71], %gather3A : memref<4096xf32, #tpu.memory_space<vmem>>[vector<16xi32>], vector<16xf32>,
      %mul3A_139 = arith.constant 2 : i32
      %mul3A_140 = vector.broadcast %mul3A_139 : i32 to vector<16xi32>
      %mul3A_141 = arith.muli %while3A_138#1, %mul3A_140 : vector<16xi32>
      %gather3A_142 = tpu.vector_load_idx %arg6[%mul3A_141] : memref<4096xf32, #tpu.memory_space<vmem>>[vector<16xi32>], vector<16xf32>,
      %mul3A_143 = arith.constant 2 : i32
      %mul3A_144 = vector.broadcast %mul3A_143 : i32 to vector<16xi32>
      %mul3A_145 = arith.muli %while3A_138#1, %mul3A_144 : vector<16xi32>
      %add3A_146 = arith.constant 1 : i32
      %add3A_147 = vector.broadcast %add3A_146 : i32 to vector<16xi32>
      %add3A_148 = arith.addi %mul3A_145, %add3A_147 : vector<16xi32>
      %gather3A_149 = tpu.vector_load_idx %arg6[%add3A_148] : memref<4096xf32, #tpu.memory_space<vmem>>[vector<16xi32>], vector<16xf32>,
      %swap3A_150 = arith.index_cast %scan3A_67 : i32 to index
      %swap3A_151 = arith.constant 0 : index
      %swap3A_152 = tpu.vector_load %arg9[%swap3A_150, %swap3A_151] {strides = array<i32>} : memref<128x16xi32, #tpu.memory_space<vmem>>, vector<16xi32>,
      tpu.vector_store %arg9[%swap3A_150, %swap3A_151], %while3A_138#1 {strides = array<i32>} : memref<128x16xi32, #tpu.memory_space<vmem>>, vector<16xi32>,
      %sub3A_153 = arith.subf %gather3A_142, %gather3A : vector<16xf32>
      %swap3A_154 = arith.index_cast %scan3A_67 : i32 to index
      %swap3A_155 = arith.constant 0 : index
      %swap3A_156 = tpu.vector_load %arg10[%swap3A_154, %swap3A_155] {strides = array<i32>} : memref<128x16xf32, #tpu.memory_space<vmem>>, vector<16xf32>,
      tpu.vector_store %arg10[%swap3A_154, %swap3A_155], %sub3A_153 {strides = array<i32>} : memref<128x16xf32, #tpu.memory_space<vmem>>, vector<16xf32>,
      %sub3A_157 = arith.subf %gather3A_149, %gather3A_75 : vector<16xf32>
      %swap3A_158 = arith.index_cast %scan3A_67 : i32 to index
      %swap3A_159 = arith.constant 0 : index
      %swap3A_160 = tpu.vector_load %arg11[%swap3A_158, %swap3A_159] {strides = array<i32>} : memref<128x16xf32, #tpu.memory_space<vmem>>, vector<16xf32>,
      tpu.vector_store %arg11[%swap3A_158, %swap3A_159], %sub3A_157 {strides = array<i32>} : memref<128x16xf32, #tpu.memory_space<vmem>>, vector<16xf32>,
    }
    %scan3A_45 = arith.constant 128 : i32
    %mul3A_46 = arith.constant 1024 : i32
    %mul3A_47 = arith.muli %select_n3A, %mul3A_46 : i32
    %jit3A_48 = arith.constant 8 : i32
    %eq3A_49 = arith.constant 0 : i32
    %eq3A_50 = arith.cmpi eq, %jit3A_48, %eq3A_49 : i32
    %jit3A_51 = arith.constant 1 : i32
    %select_n3A_52 = arith.select %eq3A_50, %jit3A_51, %jit3A_48 : i32
    %rem3A_53 = arith.remsi %add3A, %select_n3A_52 : i32
    %ne3A_54 = arith.constant 0 : i32
    %ne3A_55 = arith.cmpi ne, %rem3A_53, %ne3A_54 : i32
    %lt3A_56 = arith.constant 0 : i32
    %lt3A_57 = arith.cmpi slt, %rem3A_53, %lt3A_56 : i32
    %lt3A_58 = arith.constant 0 : i32
    %lt3A_59 = arith.cmpi slt, %select_n3A_52, %lt3A_58 : i32
    %ne3A_60 = arith.xori %lt3A_57, %lt3A_59 : i1
    %and3A_61 = arith.andi %ne3A_60, %ne3A_55 : i1
    %add3A_62 = arith.addi %rem3A_53, %select_n3A_52 : i32
    %select_n3A_63 = arith.select %and3A_61, %add3A_62, %rem3A_53 : i32
    %mul3A_64 = arith.constant 128 : i32
    %mul3A_65 = arith.muli %select_n3A_63, %mul3A_64 : i32
    %add3A_66 = arith.addi %mul3A_47, %mul3A_65 : i32
    "tpu.region"() ({
      %run_scoped3A = tpu.sem_alloc : memref<!tpu.dma_semaphore, #tpu.memory_space<semaphore_mem>>
      %dma_start3A = arith.constant 0 : i32
      %dma_start3A_67 = tpu.memref_slice %arg3[%add3A_66, %dma_start3A] : memref<4096x16xi32, #tpu.memory_space<hbm>> -> memref<128x16xi32, #tpu.memory_space<hbm>>
      %dma_start3A_68 = arith.constant 0 : i32
      %dma_start3A_69 = tpu.memref_slice %arg3[%add3A_66, %dma_start3A_68] : memref<4096x16xi32, #tpu.memory_space<hbm>> -> memref<128x16xi32, #tpu.memory_space<hbm>>
      tpu.enqueue_dma source(%arg9 : memref<128x16xi32, #tpu.memory_space<vmem>>) target(%dma_start3A_69 : memref<128x16xi32, #tpu.memory_space<hbm>>) target_semaphore(%run_scoped3A : memref<!tpu.dma_semaphore, #tpu.memory_space<semaphore_mem>>)
      %dma_wait3A = arith.constant 0 : i32
      %dma_wait3A_70 = tpu.memref_slice %arg3[%add3A_66, %dma_wait3A] : memref<4096x16xi32, #tpu.memory_space<hbm>> -> memref<128x16xi32, #tpu.memory_space<hbm>>
      %dma_wait3A_71 = arith.constant 0 : i32
      %dma_wait3A_72 = tpu.memref_slice %arg3[%add3A_66, %dma_wait3A_71] : memref<4096x16xi32, #tpu.memory_space<hbm>> -> memref<128x16xi32, #tpu.memory_space<hbm>>
      tpu.wait_dma2 semaphore(%run_scoped3A : memref<!tpu.dma_semaphore, #tpu.memory_space<semaphore_mem>>) src(%arg9 : memref<128x16xi32, #tpu.memory_space<vmem>>) dst(%dma_wait3A_72 : memref<128x16xi32, #tpu.memory_space<hbm>>)
      tpu.yield
    }) : () -> ()
    "tpu.region"() ({
      %run_scoped3A = tpu.sem_alloc : memref<!tpu.dma_semaphore, #tpu.memory_space<semaphore_mem>>
      %dma_start3A = arith.constant 0 : i32
      %dma_start3A_67 = tpu.memref_slice %arg4[%add3A_66, %dma_start3A] : memref<4096x16xf32, #tpu.memory_space<hbm>> -> memref<128x16xf32, #tpu.memory_space<hbm>>
      %dma_start3A_68 = arith.constant 0 : i32
      %dma_start3A_69 = tpu.memref_slice %arg4[%add3A_66, %dma_start3A_68] : memref<4096x16xf32, #tpu.memory_space<hbm>> -> memref<128x16xf32, #tpu.memory_space<hbm>>
      tpu.enqueue_dma source(%arg10 : memref<128x16xf32, #tpu.memory_space<vmem>>) target(%dma_start3A_69 : memref<128x16xf32, #tpu.memory_space<hbm>>) target_semaphore(%run_scoped3A : memref<!tpu.dma_semaphore, #tpu.memory_space<semaphore_mem>>)
      %dma_wait3A = arith.constant 0 : i32
      %dma_wait3A_70 = tpu.memref_slice %arg4[%add3A_66, %dma_wait3A] : memref<4096x16xf32, #tpu.memory_space<hbm>> -> memref<128x16xf32, #tpu.memory_space<hbm>>
      %dma_wait3A_71 = arith.constant 0 : i32
      %dma_wait3A_72 = tpu.memref_slice %arg4[%add3A_66, %dma_wait3A_71] : memref<4096x16xf32, #tpu.memory_space<hbm>> -> memref<128x16xf32, #tpu.memory_space<hbm>>
      tpu.wait_dma2 semaphore(%run_scoped3A : memref<!tpu.dma_semaphore, #tpu.memory_space<semaphore_mem>>) src(%arg10 : memref<128x16xf32, #tpu.memory_space<vmem>>) dst(%dma_wait3A_72 : memref<128x16xf32, #tpu.memory_space<hbm>>)
      tpu.yield
    }) : () -> ()
    "tpu.region"() ({
      %run_scoped3A = tpu.sem_alloc : memref<!tpu.dma_semaphore, #tpu.memory_space<semaphore_mem>>
      %dma_start3A = arith.constant 0 : i32
      %dma_start3A_67 = tpu.memref_slice %arg5[%add3A_66, %dma_start3A] : memref<4096x16xf32, #tpu.memory_space<hbm>> -> memref<128x16xf32, #tpu.memory_space<hbm>>
      %dma_start3A_68 = arith.constant 0 : i32
      %dma_start3A_69 = tpu.memref_slice %arg5[%add3A_66, %dma_start3A_68] : memref<4096x16xf32, #tpu.memory_space<hbm>> -> memref<128x16xf32, #tpu.memory_space<hbm>>
      tpu.enqueue_dma source(%arg11 : memref<128x16xf32, #tpu.memory_space<vmem>>) target(%dma_start3A_69 : memref<128x16xf32, #tpu.memory_space<hbm>>) target_semaphore(%run_scoped3A : memref<!tpu.dma_semaphore, #tpu.memory_space<semaphore_mem>>)
      %dma_wait3A = arith.constant 0 : i32
      %dma_wait3A_70 = tpu.memref_slice %arg5[%add3A_66, %dma_wait3A] : memref<4096x16xf32, #tpu.memory_space<hbm>> -> memref<128x16xf32, #tpu.memory_space<hbm>>
      %dma_wait3A_71 = arith.constant 0 : i32
      %dma_wait3A_72 = tpu.memref_slice %arg5[%add3A_66, %dma_wait3A_71] : memref<4096x16xf32, #tpu.memory_space<hbm>> -> memref<128x16xf32, #tpu.memory_space<hbm>>
      tpu.wait_dma2 semaphore(%run_scoped3A : memref<!tpu.dma_semaphore, #tpu.memory_space<semaphore_mem>>) src(%arg11 : memref<128x16xf32, #tpu.memory_space<vmem>>) dst(%dma_wait3A_72 : memref<128x16xf32, #tpu.memory_space<hbm>>)
      tpu.yield
    }) : () -> ()
    return
  }
}

module attributes {stable_mosaic.version = 14 : i64} {
  func.func @_topk_body(%arg0: i32, %arg1: i32, %arg2: memref<1x256x1xf32, #tpu.memory_space<vmem>>, %arg3: memref<1x256x1xf32, #tpu.memory_space<vmem>>, %arg4: memref<1x1x2048xf32, #tpu.memory_space<vmem>>, %arg5: memref<1x1x2048xf32, #tpu.memory_space<vmem>>, %arg6: memref<1x256x16xi32, #tpu.memory_space<vmem>>, %arg7: memref<1x256x16xf32, #tpu.memory_space<vmem>>, %arg8: memref<1x256x16xf32, #tpu.memory_space<vmem>>) attributes {dimension_semantics = [#tpu.dimension_semantics<arbitrary>, #tpu.dimension_semantics<arbitrary>], iteration_bounds = array<i64: 4, 4>, scalar_prefetch = 0 : i64, scratch_operands = 0 : i64, tpu.core_type = #tpu.core_type<tc>, window_params = [{transform_indices = @transform_0, window_bounds = array<i64: 1, 256, 1>}, {transform_indices = @transform_1, window_bounds = array<i64: 1, 256, 1>}, {transform_indices = @transform_2, window_bounds = array<i64: 1, 1, 2048>}, {transform_indices = @transform_3, window_bounds = array<i64: 1, 1, 2048>}, {transform_indices = @transform_4, window_bounds = array<i64: 1, 256, 16>}, {transform_indices = @transform_5, window_bounds = array<i64: 1, 256, 16>}, {transform_indices = @transform_6, window_bounds = array<i64: 1, 256, 16>}]} {
    %get3A = arith.constant 0 : index
    %get3A_0 = arith.constant 0 : index
    %get3A_1 = arith.constant 0 : index
    %get3A_2 = vector.load %arg2[%get3A, %get3A_0, %get3A_1] : memref<1x256x1xf32, #tpu.memory_space<vmem>>, vector<1x256x1xf32>
    %get3A_3 = vector.shape_cast %get3A_2 : vector<1x256x1xf32> to vector<256x1xf32>
    %get3A_4 = arith.constant 0 : index
    %get3A_5 = arith.constant 0 : index
    %get3A_6 = arith.constant 0 : index
    %get3A_7 = vector.load %arg3[%get3A_4, %get3A_5, %get3A_6] : memref<1x256x1xf32, #tpu.memory_space<vmem>>, vector<1x256x1xf32>
    %get3A_8 = vector.shape_cast %get3A_7 : vector<1x256x1xf32> to vector<256x1xf32>
    %get3A_9 = arith.constant 0 : index
    %get3A_10 = arith.constant 0 : index
    %get3A_11 = arith.constant 0 : index
    %get3A_12 = vector.load %arg4[%get3A_9, %get3A_10, %get3A_11] : memref<1x1x2048xf32, #tpu.memory_space<vmem>>, vector<1x1x2048xf32>
    %get3A_13 = vector.shape_cast %get3A_12 : vector<1x1x2048xf32> to vector<1x2048xf32>
    %get3A_14 = arith.constant 0 : index
    %get3A_15 = arith.constant 0 : index
    %get3A_16 = arith.constant 0 : index
    %get3A_17 = vector.load %arg5[%get3A_14, %get3A_15, %get3A_16] : memref<1x1x2048xf32, #tpu.memory_space<vmem>>, vector<1x1x2048xf32>
    %get3A_18 = vector.shape_cast %get3A_17 : vector<1x1x2048xf32> to vector<1x2048xf32>
    %sub3A = vector.broadcast %get3A_13 : vector<1x2048xf32> to vector<256x2048xf32>
    %sub3A_19 = vector.broadcast %get3A_3 : vector<256x1xf32> to vector<256x2048xf32>
    %sub3A_20 = arith.subf %sub3A, %sub3A_19 : vector<256x2048xf32>
    %sub3A_21 = vector.broadcast %get3A_18 : vector<1x2048xf32> to vector<256x2048xf32>
    %sub3A_22 = vector.broadcast %get3A_8 : vector<256x1xf32> to vector<256x2048xf32>
    %sub3A_23 = arith.subf %sub3A_21, %sub3A_22 : vector<256x2048xf32>
    %mul3A = arith.mulf %sub3A_20, %sub3A_20 : vector<256x2048xf32>
    %mul3A_24 = arith.mulf %sub3A_23, %sub3A_23 : vector<256x2048xf32>
    %add3A = arith.addf %mul3A, %mul3A_24 : vector<256x2048xf32>
    %iota3A = tpu.iota {dimensions = array<i32: 0>} : vector<256x2048xi32>
    %iota3A_25 = tpu.iota {dimensions = array<i32: 1>} : vector<256x2048xi32>
    %mul3A_26 = arith.constant 256 : i32
    %mul3A_27 = arith.muli %arg1, %mul3A_26 : i32
    %add3A_28 = vector.broadcast %mul3A_27 : i32 to vector<256x2048xi32>
    %add3A_29 = arith.addi %iota3A, %add3A_28 : vector<256x2048xi32>
    %eq3A = arith.cmpi eq, %iota3A_25, %add3A_29 : vector<256x2048xi32>
    %jit3A = arith.constant 0x7F800000 : f32
    %broadcast_in_dim3A = vector.broadcast %jit3A : f32 to vector<256x2048xf32>
    %select_n3A = arith.select %eq3A, %broadcast_in_dim3A, %add3A : vector<256x2048xi1>, vector<256x2048xf32>
    %reduce_min3A = arith.constant dense<0x7F800000> : vector<256xf32>
    %reduce_min3A_30 = vector.multi_reduction <minimumf>, %select_n3A, %reduce_min3A [1] : vector<256x2048xf32> to vector<256xf32>
    %broadcast_in_dim3A_31 = vector.shape_cast %reduce_min3A_30 : vector<256xf32> to vector<256x1xf32>
    %eq3A_32 = vector.broadcast %broadcast_in_dim3A_31 : vector<256x1xf32> to vector<256x2048xf32>
    %eq3A_33 = arith.cmpf oeq, %select_n3A, %eq3A_32 : vector<256x2048xf32>
    %jit3A_34 = arith.constant 2048 : i32
    %broadcast_in_dim3A_35 = vector.broadcast %jit3A_34 : i32 to vector<256x2048xi32>
    %select_n3A_36 = arith.select %eq3A_33, %iota3A_25, %broadcast_in_dim3A_35 : vector<256x2048xi1>, vector<256x2048xi32>
    %reduce_min3A_37 = arith.constant dense<2147483647> : vector<256xi32>
    %reduce_min3A_38 = vector.multi_reduction <minsi>, %select_n3A_36, %reduce_min3A_37 [1] : vector<256x2048xi32> to vector<256xi32>
    %broadcast_in_dim3A_39 = vector.shape_cast %reduce_min3A_38 : vector<256xi32> to vector<256x1xi32>
    %eq3A_40 = vector.broadcast %broadcast_in_dim3A_39 : vector<256x1xi32> to vector<256x2048xi32>
    %eq3A_41 = arith.cmpi eq, %iota3A_25, %eq3A_40 : vector<256x2048xi32>
    %jit3A_42 = arith.constant 0.000000e+00 : f32
    %broadcast_in_dim3A_43 = vector.broadcast %jit3A_42 : f32 to vector<256x2048xf32>
    %select_n3A_44 = arith.select %eq3A_41, %sub3A_20, %broadcast_in_dim3A_43 : vector<256x2048xi1>, vector<256x2048xf32>
    %reduce_sum3A = arith.constant dense<0.000000e+00> : vector<256xf32>
    %reduce_sum3A_45 = vector.multi_reduction <add>, %select_n3A_44, %reduce_sum3A [1] : vector<256x2048xf32> to vector<256xf32>
    %jit3A_46 = arith.constant 0.000000e+00 : f32
    %broadcast_in_dim3A_47 = vector.broadcast %jit3A_46 : f32 to vector<256x2048xf32>
    %select_n3A_48 = arith.select %eq3A_41, %sub3A_23, %broadcast_in_dim3A_47 : vector<256x2048xi1>, vector<256x2048xf32>
    %reduce_sum3A_49 = arith.constant dense<0.000000e+00> : vector<256xf32>
    %reduce_sum3A_50 = vector.multi_reduction <add>, %select_n3A_48, %reduce_sum3A_49 [1] : vector<256x2048xf32> to vector<256xf32>
    %jit3A_51 = arith.constant 0x7F800000 : f32
    %broadcast_in_dim3A_52 = vector.broadcast %jit3A_51 : f32 to vector<256x2048xf32>
    %select_n3A_53 = arith.select %eq3A_41, %broadcast_in_dim3A_52, %select_n3A : vector<256x2048xi1>, vector<256x2048xf32>
    %squeeze3A = vector.shape_cast %broadcast_in_dim3A_39 : vector<256x1xi32> to vector<256xi32>
    %swap3A = arith.constant 0 : index
    %swap3A_54 = arith.constant 0 : index
    %swap3A_55 = arith.constant 0 : index
    %swap3A_56 = vector.load %arg6[%swap3A, %swap3A_54, %swap3A_55] : memref<1x256x16xi32, #tpu.memory_space<vmem>>, vector<1x256x1xi32>
    %swap3A_57 = vector.shape_cast %swap3A_56 : vector<1x256x1xi32> to vector<256xi32>
    %swap3A_58 = vector.shape_cast %squeeze3A : vector<256xi32> to vector<1x256x1xi32>
    tpu.vector_store %arg6[%swap3A, %swap3A_54, %swap3A_55], %swap3A_58 {strides = array<i32>} : memref<1x256x16xi32, #tpu.memory_space<vmem>>, vector<1x256x1xi32>,
    %swap3A_59 = arith.constant 0 : index
    %swap3A_60 = arith.constant 0 : index
    %swap3A_61 = arith.constant 0 : index
    %swap3A_62 = vector.load %arg7[%swap3A_59, %swap3A_60, %swap3A_61] : memref<1x256x16xf32, #tpu.memory_space<vmem>>, vector<1x256x1xf32>
    %swap3A_63 = vector.shape_cast %swap3A_62 : vector<1x256x1xf32> to vector<256xf32>
    %swap3A_64 = vector.shape_cast %reduce_sum3A_45 : vector<256xf32> to vector<1x256x1xf32>
    tpu.vector_store %arg7[%swap3A_59, %swap3A_60, %swap3A_61], %swap3A_64 {strides = array<i32>} : memref<1x256x16xf32, #tpu.memory_space<vmem>>, vector<1x256x1xf32>,
    %swap3A_65 = arith.constant 0 : index
    %swap3A_66 = arith.constant 0 : index
    %swap3A_67 = arith.constant 0 : index
    %swap3A_68 = vector.load %arg8[%swap3A_65, %swap3A_66, %swap3A_67] : memref<1x256x16xf32, #tpu.memory_space<vmem>>, vector<1x256x1xf32>
    %swap3A_69 = vector.shape_cast %swap3A_68 : vector<1x256x1xf32> to vector<256xf32>
    %swap3A_70 = vector.shape_cast %reduce_sum3A_50 : vector<256xf32> to vector<1x256x1xf32>
    tpu.vector_store %arg8[%swap3A_65, %swap3A_66, %swap3A_67], %swap3A_70 {strides = array<i32>} : memref<1x256x16xf32, #tpu.memory_space<vmem>>, vector<1x256x1xf32>,
    %reduce_min3A_71 = arith.constant dense<0x7F800000> : vector<256xf32>
    %reduce_min3A_72 = vector.multi_reduction <minimumf>, %select_n3A_53, %reduce_min3A_71 [1] : vector<256x2048xf32> to vector<256xf32>
    %broadcast_in_dim3A_73 = vector.shape_cast %reduce_min3A_72 : vector<256xf32> to vector<256x1xf32>
    %eq3A_74 = vector.broadcast %broadcast_in_dim3A_73 : vector<256x1xf32> to vector<256x2048xf32>
    %eq3A_75 = arith.cmpf oeq, %select_n3A_53, %eq3A_74 : vector<256x2048xf32>
    %jit3A_76 = arith.constant 2048 : i32
    %broadcast_in_dim3A_77 = vector.broadcast %jit3A_76 : i32 to vector<256x2048xi32>
    %select_n3A_78 = arith.select %eq3A_75, %iota3A_25, %broadcast_in_dim3A_77 : vector<256x2048xi1>, vector<256x2048xi32>
    %reduce_min3A_79 = arith.constant dense<2147483647> : vector<256xi32>
    %reduce_min3A_80 = vector.multi_reduction <minsi>, %select_n3A_78, %reduce_min3A_79 [1] : vector<256x2048xi32> to vector<256xi32>
    %broadcast_in_dim3A_81 = vector.shape_cast %reduce_min3A_80 : vector<256xi32> to vector<256x1xi32>
    %eq3A_82 = vector.broadcast %broadcast_in_dim3A_81 : vector<256x1xi32> to vector<256x2048xi32>
    %eq3A_83 = arith.cmpi eq, %iota3A_25, %eq3A_82 : vector<256x2048xi32>
    %jit3A_84 = arith.constant 0.000000e+00 : f32
    %broadcast_in_dim3A_85 = vector.broadcast %jit3A_84 : f32 to vector<256x2048xf32>
    %select_n3A_86 = arith.select %eq3A_83, %sub3A_20, %broadcast_in_dim3A_85 : vector<256x2048xi1>, vector<256x2048xf32>
    %reduce_sum3A_87 = arith.constant dense<0.000000e+00> : vector<256xf32>
    %reduce_sum3A_88 = vector.multi_reduction <add>, %select_n3A_86, %reduce_sum3A_87 [1] : vector<256x2048xf32> to vector<256xf32>
    %jit3A_89 = arith.constant 0.000000e+00 : f32
    %broadcast_in_dim3A_90 = vector.broadcast %jit3A_89 : f32 to vector<256x2048xf32>
    %select_n3A_91 = arith.select %eq3A_83, %sub3A_23, %broadcast_in_dim3A_90 : vector<256x2048xi1>, vector<256x2048xf32>
    %reduce_sum3A_92 = arith.constant dense<0.000000e+00> : vector<256xf32>
    %reduce_sum3A_93 = vector.multi_reduction <add>, %select_n3A_91, %reduce_sum3A_92 [1] : vector<256x2048xf32> to vector<256xf32>
    %jit3A_94 = arith.constant 0x7F800000 : f32
    %broadcast_in_dim3A_95 = vector.broadcast %jit3A_94 : f32 to vector<256x2048xf32>
    %select_n3A_96 = arith.select %eq3A_83, %broadcast_in_dim3A_95, %select_n3A_53 : vector<256x2048xi1>, vector<256x2048xf32>
    %squeeze3A_97 = vector.shape_cast %broadcast_in_dim3A_81 : vector<256x1xi32> to vector<256xi32>
    %swap3A_98 = arith.constant 0 : index
    %swap3A_99 = arith.constant 0 : index
    %swap3A_100 = arith.constant 1 : index
    %swap3A_101 = vector.load %arg6[%swap3A_98, %swap3A_99, %swap3A_100] : memref<1x256x16xi32, #tpu.memory_space<vmem>>, vector<1x256x1xi32>
    %swap3A_102 = vector.shape_cast %swap3A_101 : vector<1x256x1xi32> to vector<256xi32>
    %swap3A_103 = vector.shape_cast %squeeze3A_97 : vector<256xi32> to vector<1x256x1xi32>
    tpu.vector_store %arg6[%swap3A_98, %swap3A_99, %swap3A_100], %swap3A_103 {strides = array<i32>} : memref<1x256x16xi32, #tpu.memory_space<vmem>>, vector<1x256x1xi32>,
    %swap3A_104 = arith.constant 0 : index
    %swap3A_105 = arith.constant 0 : index
    %swap3A_106 = arith.constant 1 : index
    %swap3A_107 = vector.load %arg7[%swap3A_104, %swap3A_105, %swap3A_106] : memref<1x256x16xf32, #tpu.memory_space<vmem>>, vector<1x256x1xf32>
    %swap3A_108 = vector.shape_cast %swap3A_107 : vector<1x256x1xf32> to vector<256xf32>
    %swap3A_109 = vector.shape_cast %reduce_sum3A_88 : vector<256xf32> to vector<1x256x1xf32>
    tpu.vector_store %arg7[%swap3A_104, %swap3A_105, %swap3A_106], %swap3A_109 {strides = array<i32>} : memref<1x256x16xf32, #tpu.memory_space<vmem>>, vector<1x256x1xf32>,
    %swap3A_110 = arith.constant 0 : index
    %swap3A_111 = arith.constant 0 : index
    %swap3A_112 = arith.constant 1 : index
    %swap3A_113 = vector.load %arg8[%swap3A_110, %swap3A_111, %swap3A_112] : memref<1x256x16xf32, #tpu.memory_space<vmem>>, vector<1x256x1xf32>
    %swap3A_114 = vector.shape_cast %swap3A_113 : vector<1x256x1xf32> to vector<256xf32>
    %swap3A_115 = vector.shape_cast %reduce_sum3A_93 : vector<256xf32> to vector<1x256x1xf32>
    tpu.vector_store %arg8[%swap3A_110, %swap3A_111, %swap3A_112], %swap3A_115 {strides = array<i32>} : memref<1x256x16xf32, #tpu.memory_space<vmem>>, vector<1x256x1xf32>,
    %reduce_min3A_116 = arith.constant dense<0x7F800000> : vector<256xf32>
    %reduce_min3A_117 = vector.multi_reduction <minimumf>, %select_n3A_96, %reduce_min3A_116 [1] : vector<256x2048xf32> to vector<256xf32>
    %broadcast_in_dim3A_118 = vector.shape_cast %reduce_min3A_117 : vector<256xf32> to vector<256x1xf32>
    %eq3A_119 = vector.broadcast %broadcast_in_dim3A_118 : vector<256x1xf32> to vector<256x2048xf32>
    %eq3A_120 = arith.cmpf oeq, %select_n3A_96, %eq3A_119 : vector<256x2048xf32>
    %jit3A_121 = arith.constant 2048 : i32
    %broadcast_in_dim3A_122 = vector.broadcast %jit3A_121 : i32 to vector<256x2048xi32>
    %select_n3A_123 = arith.select %eq3A_120, %iota3A_25, %broadcast_in_dim3A_122 : vector<256x2048xi1>, vector<256x2048xi32>
    %reduce_min3A_124 = arith.constant dense<2147483647> : vector<256xi32>
    %reduce_min3A_125 = vector.multi_reduction <minsi>, %select_n3A_123, %reduce_min3A_124 [1] : vector<256x2048xi32> to vector<256xi32>
    %broadcast_in_dim3A_126 = vector.shape_cast %reduce_min3A_125 : vector<256xi32> to vector<256x1xi32>
    %eq3A_127 = vector.broadcast %broadcast_in_dim3A_126 : vector<256x1xi32> to vector<256x2048xi32>
    %eq3A_128 = arith.cmpi eq, %iota3A_25, %eq3A_127 : vector<256x2048xi32>
    %jit3A_129 = arith.constant 0.000000e+00 : f32
    %broadcast_in_dim3A_130 = vector.broadcast %jit3A_129 : f32 to vector<256x2048xf32>
    %select_n3A_131 = arith.select %eq3A_128, %sub3A_20, %broadcast_in_dim3A_130 : vector<256x2048xi1>, vector<256x2048xf32>
    %reduce_sum3A_132 = arith.constant dense<0.000000e+00> : vector<256xf32>
    %reduce_sum3A_133 = vector.multi_reduction <add>, %select_n3A_131, %reduce_sum3A_132 [1] : vector<256x2048xf32> to vector<256xf32>
    %jit3A_134 = arith.constant 0.000000e+00 : f32
    %broadcast_in_dim3A_135 = vector.broadcast %jit3A_134 : f32 to vector<256x2048xf32>
    %select_n3A_136 = arith.select %eq3A_128, %sub3A_23, %broadcast_in_dim3A_135 : vector<256x2048xi1>, vector<256x2048xf32>
    %reduce_sum3A_137 = arith.constant dense<0.000000e+00> : vector<256xf32>
    %reduce_sum3A_138 = vector.multi_reduction <add>, %select_n3A_136, %reduce_sum3A_137 [1] : vector<256x2048xf32> to vector<256xf32>
    %jit3A_139 = arith.constant 0x7F800000 : f32
    %broadcast_in_dim3A_140 = vector.broadcast %jit3A_139 : f32 to vector<256x2048xf32>
    %select_n3A_141 = arith.select %eq3A_128, %broadcast_in_dim3A_140, %select_n3A_96 : vector<256x2048xi1>, vector<256x2048xf32>
    %squeeze3A_142 = vector.shape_cast %broadcast_in_dim3A_126 : vector<256x1xi32> to vector<256xi32>
    %swap3A_143 = arith.constant 0 : index
    %swap3A_144 = arith.constant 0 : index
    %swap3A_145 = arith.constant 2 : index
    %swap3A_146 = vector.load %arg6[%swap3A_143, %swap3A_144, %swap3A_145] : memref<1x256x16xi32, #tpu.memory_space<vmem>>, vector<1x256x1xi32>
    %swap3A_147 = vector.shape_cast %swap3A_146 : vector<1x256x1xi32> to vector<256xi32>
    %swap3A_148 = vector.shape_cast %squeeze3A_142 : vector<256xi32> to vector<1x256x1xi32>
    tpu.vector_store %arg6[%swap3A_143, %swap3A_144, %swap3A_145], %swap3A_148 {strides = array<i32>} : memref<1x256x16xi32, #tpu.memory_space<vmem>>, vector<1x256x1xi32>,
    %swap3A_149 = arith.constant 0 : index
    %swap3A_150 = arith.constant 0 : index
    %swap3A_151 = arith.constant 2 : index
    %swap3A_152 = vector.load %arg7[%swap3A_149, %swap3A_150, %swap3A_151] : memref<1x256x16xf32, #tpu.memory_space<vmem>>, vector<1x256x1xf32>
    %swap3A_153 = vector.shape_cast %swap3A_152 : vector<1x256x1xf32> to vector<256xf32>
    %swap3A_154 = vector.shape_cast %reduce_sum3A_133 : vector<256xf32> to vector<1x256x1xf32>
    tpu.vector_store %arg7[%swap3A_149, %swap3A_150, %swap3A_151], %swap3A_154 {strides = array<i32>} : memref<1x256x16xf32, #tpu.memory_space<vmem>>, vector<1x256x1xf32>,
    %swap3A_155 = arith.constant 0 : index
    %swap3A_156 = arith.constant 0 : index
    %swap3A_157 = arith.constant 2 : index
    %swap3A_158 = vector.load %arg8[%swap3A_155, %swap3A_156, %swap3A_157] : memref<1x256x16xf32, #tpu.memory_space<vmem>>, vector<1x256x1xf32>
    %swap3A_159 = vector.shape_cast %swap3A_158 : vector<1x256x1xf32> to vector<256xf32>
    %swap3A_160 = vector.shape_cast %reduce_sum3A_138 : vector<256xf32> to vector<1x256x1xf32>
    tpu.vector_store %arg8[%swap3A_155, %swap3A_156, %swap3A_157], %swap3A_160 {strides = array<i32>} : memref<1x256x16xf32, #tpu.memory_space<vmem>>, vector<1x256x1xf32>,
    %reduce_min3A_161 = arith.constant dense<0x7F800000> : vector<256xf32>
    %reduce_min3A_162 = vector.multi_reduction <minimumf>, %select_n3A_141, %reduce_min3A_161 [1] : vector<256x2048xf32> to vector<256xf32>
    %broadcast_in_dim3A_163 = vector.shape_cast %reduce_min3A_162 : vector<256xf32> to vector<256x1xf32>
    %eq3A_164 = vector.broadcast %broadcast_in_dim3A_163 : vector<256x1xf32> to vector<256x2048xf32>
    %eq3A_165 = arith.cmpf oeq, %select_n3A_141, %eq3A_164 : vector<256x2048xf32>
    %jit3A_166 = arith.constant 2048 : i32
    %broadcast_in_dim3A_167 = vector.broadcast %jit3A_166 : i32 to vector<256x2048xi32>
    %select_n3A_168 = arith.select %eq3A_165, %iota3A_25, %broadcast_in_dim3A_167 : vector<256x2048xi1>, vector<256x2048xi32>
    %reduce_min3A_169 = arith.constant dense<2147483647> : vector<256xi32>
    %reduce_min3A_170 = vector.multi_reduction <minsi>, %select_n3A_168, %reduce_min3A_169 [1] : vector<256x2048xi32> to vector<256xi32>
    %broadcast_in_dim3A_171 = vector.shape_cast %reduce_min3A_170 : vector<256xi32> to vector<256x1xi32>
    %eq3A_172 = vector.broadcast %broadcast_in_dim3A_171 : vector<256x1xi32> to vector<256x2048xi32>
    %eq3A_173 = arith.cmpi eq, %iota3A_25, %eq3A_172 : vector<256x2048xi32>
    %jit3A_174 = arith.constant 0.000000e+00 : f32
    %broadcast_in_dim3A_175 = vector.broadcast %jit3A_174 : f32 to vector<256x2048xf32>
    %select_n3A_176 = arith.select %eq3A_173, %sub3A_20, %broadcast_in_dim3A_175 : vector<256x2048xi1>, vector<256x2048xf32>
    %reduce_sum3A_177 = arith.constant dense<0.000000e+00> : vector<256xf32>
    %reduce_sum3A_178 = vector.multi_reduction <add>, %select_n3A_176, %reduce_sum3A_177 [1] : vector<256x2048xf32> to vector<256xf32>
    %jit3A_179 = arith.constant 0.000000e+00 : f32
    %broadcast_in_dim3A_180 = vector.broadcast %jit3A_179 : f32 to vector<256x2048xf32>
    %select_n3A_181 = arith.select %eq3A_173, %sub3A_23, %broadcast_in_dim3A_180 : vector<256x2048xi1>, vector<256x2048xf32>
    %reduce_sum3A_182 = arith.constant dense<0.000000e+00> : vector<256xf32>
    %reduce_sum3A_183 = vector.multi_reduction <add>, %select_n3A_181, %reduce_sum3A_182 [1] : vector<256x2048xf32> to vector<256xf32>
    %jit3A_184 = arith.constant 0x7F800000 : f32
    %broadcast_in_dim3A_185 = vector.broadcast %jit3A_184 : f32 to vector<256x2048xf32>
    %select_n3A_186 = arith.select %eq3A_173, %broadcast_in_dim3A_185, %select_n3A_141 : vector<256x2048xi1>, vector<256x2048xf32>
    %squeeze3A_187 = vector.shape_cast %broadcast_in_dim3A_171 : vector<256x1xi32> to vector<256xi32>
    %swap3A_188 = arith.constant 0 : index
    %swap3A_189 = arith.constant 0 : index
    %swap3A_190 = arith.constant 3 : index
    %swap3A_191 = vector.load %arg6[%swap3A_188, %swap3A_189, %swap3A_190] : memref<1x256x16xi32, #tpu.memory_space<vmem>>, vector<1x256x1xi32>
    %swap3A_192 = vector.shape_cast %swap3A_191 : vector<1x256x1xi32> to vector<256xi32>
    %swap3A_193 = vector.shape_cast %squeeze3A_187 : vector<256xi32> to vector<1x256x1xi32>
    tpu.vector_store %arg6[%swap3A_188, %swap3A_189, %swap3A_190], %swap3A_193 {strides = array<i32>} : memref<1x256x16xi32, #tpu.memory_space<vmem>>, vector<1x256x1xi32>,
    %swap3A_194 = arith.constant 0 : index
    %swap3A_195 = arith.constant 0 : index
    %swap3A_196 = arith.constant 3 : index
    %swap3A_197 = vector.load %arg7[%swap3A_194, %swap3A_195, %swap3A_196] : memref<1x256x16xf32, #tpu.memory_space<vmem>>, vector<1x256x1xf32>
    %swap3A_198 = vector.shape_cast %swap3A_197 : vector<1x256x1xf32> to vector<256xf32>
    %swap3A_199 = vector.shape_cast %reduce_sum3A_178 : vector<256xf32> to vector<1x256x1xf32>
    tpu.vector_store %arg7[%swap3A_194, %swap3A_195, %swap3A_196], %swap3A_199 {strides = array<i32>} : memref<1x256x16xf32, #tpu.memory_space<vmem>>, vector<1x256x1xf32>,
    %swap3A_200 = arith.constant 0 : index
    %swap3A_201 = arith.constant 0 : index
    %swap3A_202 = arith.constant 3 : index
    %swap3A_203 = vector.load %arg8[%swap3A_200, %swap3A_201, %swap3A_202] : memref<1x256x16xf32, #tpu.memory_space<vmem>>, vector<1x256x1xf32>
    %swap3A_204 = vector.shape_cast %swap3A_203 : vector<1x256x1xf32> to vector<256xf32>
    %swap3A_205 = vector.shape_cast %reduce_sum3A_183 : vector<256xf32> to vector<1x256x1xf32>
    tpu.vector_store %arg8[%swap3A_200, %swap3A_201, %swap3A_202], %swap3A_205 {strides = array<i32>} : memref<1x256x16xf32, #tpu.memory_space<vmem>>, vector<1x256x1xf32>,
    %reduce_min3A_206 = arith.constant dense<0x7F800000> : vector<256xf32>
    %reduce_min3A_207 = vector.multi_reduction <minimumf>, %select_n3A_186, %reduce_min3A_206 [1] : vector<256x2048xf32> to vector<256xf32>
    %broadcast_in_dim3A_208 = vector.shape_cast %reduce_min3A_207 : vector<256xf32> to vector<256x1xf32>
    %eq3A_209 = vector.broadcast %broadcast_in_dim3A_208 : vector<256x1xf32> to vector<256x2048xf32>
    %eq3A_210 = arith.cmpf oeq, %select_n3A_186, %eq3A_209 : vector<256x2048xf32>
    %jit3A_211 = arith.constant 2048 : i32
    %broadcast_in_dim3A_212 = vector.broadcast %jit3A_211 : i32 to vector<256x2048xi32>
    %select_n3A_213 = arith.select %eq3A_210, %iota3A_25, %broadcast_in_dim3A_212 : vector<256x2048xi1>, vector<256x2048xi32>
    %reduce_min3A_214 = arith.constant dense<2147483647> : vector<256xi32>
    %reduce_min3A_215 = vector.multi_reduction <minsi>, %select_n3A_213, %reduce_min3A_214 [1] : vector<256x2048xi32> to vector<256xi32>
    %broadcast_in_dim3A_216 = vector.shape_cast %reduce_min3A_215 : vector<256xi32> to vector<256x1xi32>
    %eq3A_217 = vector.broadcast %broadcast_in_dim3A_216 : vector<256x1xi32> to vector<256x2048xi32>
    %eq3A_218 = arith.cmpi eq, %iota3A_25, %eq3A_217 : vector<256x2048xi32>
    %jit3A_219 = arith.constant 0.000000e+00 : f32
    %broadcast_in_dim3A_220 = vector.broadcast %jit3A_219 : f32 to vector<256x2048xf32>
    %select_n3A_221 = arith.select %eq3A_218, %sub3A_20, %broadcast_in_dim3A_220 : vector<256x2048xi1>, vector<256x2048xf32>
    %reduce_sum3A_222 = arith.constant dense<0.000000e+00> : vector<256xf32>
    %reduce_sum3A_223 = vector.multi_reduction <add>, %select_n3A_221, %reduce_sum3A_222 [1] : vector<256x2048xf32> to vector<256xf32>
    %jit3A_224 = arith.constant 0.000000e+00 : f32
    %broadcast_in_dim3A_225 = vector.broadcast %jit3A_224 : f32 to vector<256x2048xf32>
    %select_n3A_226 = arith.select %eq3A_218, %sub3A_23, %broadcast_in_dim3A_225 : vector<256x2048xi1>, vector<256x2048xf32>
    %reduce_sum3A_227 = arith.constant dense<0.000000e+00> : vector<256xf32>
    %reduce_sum3A_228 = vector.multi_reduction <add>, %select_n3A_226, %reduce_sum3A_227 [1] : vector<256x2048xf32> to vector<256xf32>
    %jit3A_229 = arith.constant 0x7F800000 : f32
    %broadcast_in_dim3A_230 = vector.broadcast %jit3A_229 : f32 to vector<256x2048xf32>
    %select_n3A_231 = arith.select %eq3A_218, %broadcast_in_dim3A_230, %select_n3A_186 : vector<256x2048xi1>, vector<256x2048xf32>
    %squeeze3A_232 = vector.shape_cast %broadcast_in_dim3A_216 : vector<256x1xi32> to vector<256xi32>
    %swap3A_233 = arith.constant 0 : index
    %swap3A_234 = arith.constant 0 : index
    %swap3A_235 = arith.constant 4 : index
    %swap3A_236 = vector.load %arg6[%swap3A_233, %swap3A_234, %swap3A_235] : memref<1x256x16xi32, #tpu.memory_space<vmem>>, vector<1x256x1xi32>
    %swap3A_237 = vector.shape_cast %swap3A_236 : vector<1x256x1xi32> to vector<256xi32>
    %swap3A_238 = vector.shape_cast %squeeze3A_232 : vector<256xi32> to vector<1x256x1xi32>
    tpu.vector_store %arg6[%swap3A_233, %swap3A_234, %swap3A_235], %swap3A_238 {strides = array<i32>} : memref<1x256x16xi32, #tpu.memory_space<vmem>>, vector<1x256x1xi32>,
    %swap3A_239 = arith.constant 0 : index
    %swap3A_240 = arith.constant 0 : index
    %swap3A_241 = arith.constant 4 : index
    %swap3A_242 = vector.load %arg7[%swap3A_239, %swap3A_240, %swap3A_241] : memref<1x256x16xf32, #tpu.memory_space<vmem>>, vector<1x256x1xf32>
    %swap3A_243 = vector.shape_cast %swap3A_242 : vector<1x256x1xf32> to vector<256xf32>
    %swap3A_244 = vector.shape_cast %reduce_sum3A_223 : vector<256xf32> to vector<1x256x1xf32>
    tpu.vector_store %arg7[%swap3A_239, %swap3A_240, %swap3A_241], %swap3A_244 {strides = array<i32>} : memref<1x256x16xf32, #tpu.memory_space<vmem>>, vector<1x256x1xf32>,
    %swap3A_245 = arith.constant 0 : index
    %swap3A_246 = arith.constant 0 : index
    %swap3A_247 = arith.constant 4 : index
    %swap3A_248 = vector.load %arg8[%swap3A_245, %swap3A_246, %swap3A_247] : memref<1x256x16xf32, #tpu.memory_space<vmem>>, vector<1x256x1xf32>
    %swap3A_249 = vector.shape_cast %swap3A_248 : vector<1x256x1xf32> to vector<256xf32>
    %swap3A_250 = vector.shape_cast %reduce_sum3A_228 : vector<256xf32> to vector<1x256x1xf32>
    tpu.vector_store %arg8[%swap3A_245, %swap3A_246, %swap3A_247], %swap3A_250 {strides = array<i32>} : memref<1x256x16xf32, #tpu.memory_space<vmem>>, vector<1x256x1xf32>,
    %reduce_min3A_251 = arith.constant dense<0x7F800000> : vector<256xf32>
    %reduce_min3A_252 = vector.multi_reduction <minimumf>, %select_n3A_231, %reduce_min3A_251 [1] : vector<256x2048xf32> to vector<256xf32>
    %broadcast_in_dim3A_253 = vector.shape_cast %reduce_min3A_252 : vector<256xf32> to vector<256x1xf32>
    %eq3A_254 = vector.broadcast %broadcast_in_dim3A_253 : vector<256x1xf32> to vector<256x2048xf32>
    %eq3A_255 = arith.cmpf oeq, %select_n3A_231, %eq3A_254 : vector<256x2048xf32>
    %jit3A_256 = arith.constant 2048 : i32
    %broadcast_in_dim3A_257 = vector.broadcast %jit3A_256 : i32 to vector<256x2048xi32>
    %select_n3A_258 = arith.select %eq3A_255, %iota3A_25, %broadcast_in_dim3A_257 : vector<256x2048xi1>, vector<256x2048xi32>
    %reduce_min3A_259 = arith.constant dense<2147483647> : vector<256xi32>
    %reduce_min3A_260 = vector.multi_reduction <minsi>, %select_n3A_258, %reduce_min3A_259 [1] : vector<256x2048xi32> to vector<256xi32>
    %broadcast_in_dim3A_261 = vector.shape_cast %reduce_min3A_260 : vector<256xi32> to vector<256x1xi32>
    %eq3A_262 = vector.broadcast %broadcast_in_dim3A_261 : vector<256x1xi32> to vector<256x2048xi32>
    %eq3A_263 = arith.cmpi eq, %iota3A_25, %eq3A_262 : vector<256x2048xi32>
    %jit3A_264 = arith.constant 0.000000e+00 : f32
    %broadcast_in_dim3A_265 = vector.broadcast %jit3A_264 : f32 to vector<256x2048xf32>
    %select_n3A_266 = arith.select %eq3A_263, %sub3A_20, %broadcast_in_dim3A_265 : vector<256x2048xi1>, vector<256x2048xf32>
    %reduce_sum3A_267 = arith.constant dense<0.000000e+00> : vector<256xf32>
    %reduce_sum3A_268 = vector.multi_reduction <add>, %select_n3A_266, %reduce_sum3A_267 [1] : vector<256x2048xf32> to vector<256xf32>
    %jit3A_269 = arith.constant 0.000000e+00 : f32
    %broadcast_in_dim3A_270 = vector.broadcast %jit3A_269 : f32 to vector<256x2048xf32>
    %select_n3A_271 = arith.select %eq3A_263, %sub3A_23, %broadcast_in_dim3A_270 : vector<256x2048xi1>, vector<256x2048xf32>
    %reduce_sum3A_272 = arith.constant dense<0.000000e+00> : vector<256xf32>
    %reduce_sum3A_273 = vector.multi_reduction <add>, %select_n3A_271, %reduce_sum3A_272 [1] : vector<256x2048xf32> to vector<256xf32>
    %jit3A_274 = arith.constant 0x7F800000 : f32
    %broadcast_in_dim3A_275 = vector.broadcast %jit3A_274 : f32 to vector<256x2048xf32>
    %select_n3A_276 = arith.select %eq3A_263, %broadcast_in_dim3A_275, %select_n3A_231 : vector<256x2048xi1>, vector<256x2048xf32>
    %squeeze3A_277 = vector.shape_cast %broadcast_in_dim3A_261 : vector<256x1xi32> to vector<256xi32>
    %swap3A_278 = arith.constant 0 : index
    %swap3A_279 = arith.constant 0 : index
    %swap3A_280 = arith.constant 5 : index
    %swap3A_281 = vector.load %arg6[%swap3A_278, %swap3A_279, %swap3A_280] : memref<1x256x16xi32, #tpu.memory_space<vmem>>, vector<1x256x1xi32>
    %swap3A_282 = vector.shape_cast %swap3A_281 : vector<1x256x1xi32> to vector<256xi32>
    %swap3A_283 = vector.shape_cast %squeeze3A_277 : vector<256xi32> to vector<1x256x1xi32>
    tpu.vector_store %arg6[%swap3A_278, %swap3A_279, %swap3A_280], %swap3A_283 {strides = array<i32>} : memref<1x256x16xi32, #tpu.memory_space<vmem>>, vector<1x256x1xi32>,
    %swap3A_284 = arith.constant 0 : index
    %swap3A_285 = arith.constant 0 : index
    %swap3A_286 = arith.constant 5 : index
    %swap3A_287 = vector.load %arg7[%swap3A_284, %swap3A_285, %swap3A_286] : memref<1x256x16xf32, #tpu.memory_space<vmem>>, vector<1x256x1xf32>
    %swap3A_288 = vector.shape_cast %swap3A_287 : vector<1x256x1xf32> to vector<256xf32>
    %swap3A_289 = vector.shape_cast %reduce_sum3A_268 : vector<256xf32> to vector<1x256x1xf32>
    tpu.vector_store %arg7[%swap3A_284, %swap3A_285, %swap3A_286], %swap3A_289 {strides = array<i32>} : memref<1x256x16xf32, #tpu.memory_space<vmem>>, vector<1x256x1xf32>,
    %swap3A_290 = arith.constant 0 : index
    %swap3A_291 = arith.constant 0 : index
    %swap3A_292 = arith.constant 5 : index
    %swap3A_293 = vector.load %arg8[%swap3A_290, %swap3A_291, %swap3A_292] : memref<1x256x16xf32, #tpu.memory_space<vmem>>, vector<1x256x1xf32>
    %swap3A_294 = vector.shape_cast %swap3A_293 : vector<1x256x1xf32> to vector<256xf32>
    %swap3A_295 = vector.shape_cast %reduce_sum3A_273 : vector<256xf32> to vector<1x256x1xf32>
    tpu.vector_store %arg8[%swap3A_290, %swap3A_291, %swap3A_292], %swap3A_295 {strides = array<i32>} : memref<1x256x16xf32, #tpu.memory_space<vmem>>, vector<1x256x1xf32>,
    %reduce_min3A_296 = arith.constant dense<0x7F800000> : vector<256xf32>
    %reduce_min3A_297 = vector.multi_reduction <minimumf>, %select_n3A_276, %reduce_min3A_296 [1] : vector<256x2048xf32> to vector<256xf32>
    %broadcast_in_dim3A_298 = vector.shape_cast %reduce_min3A_297 : vector<256xf32> to vector<256x1xf32>
    %eq3A_299 = vector.broadcast %broadcast_in_dim3A_298 : vector<256x1xf32> to vector<256x2048xf32>
    %eq3A_300 = arith.cmpf oeq, %select_n3A_276, %eq3A_299 : vector<256x2048xf32>
    %jit3A_301 = arith.constant 2048 : i32
    %broadcast_in_dim3A_302 = vector.broadcast %jit3A_301 : i32 to vector<256x2048xi32>
    %select_n3A_303 = arith.select %eq3A_300, %iota3A_25, %broadcast_in_dim3A_302 : vector<256x2048xi1>, vector<256x2048xi32>
    %reduce_min3A_304 = arith.constant dense<2147483647> : vector<256xi32>
    %reduce_min3A_305 = vector.multi_reduction <minsi>, %select_n3A_303, %reduce_min3A_304 [1] : vector<256x2048xi32> to vector<256xi32>
    %broadcast_in_dim3A_306 = vector.shape_cast %reduce_min3A_305 : vector<256xi32> to vector<256x1xi32>
    %eq3A_307 = vector.broadcast %broadcast_in_dim3A_306 : vector<256x1xi32> to vector<256x2048xi32>
    %eq3A_308 = arith.cmpi eq, %iota3A_25, %eq3A_307 : vector<256x2048xi32>
    %jit3A_309 = arith.constant 0.000000e+00 : f32
    %broadcast_in_dim3A_310 = vector.broadcast %jit3A_309 : f32 to vector<256x2048xf32>
    %select_n3A_311 = arith.select %eq3A_308, %sub3A_20, %broadcast_in_dim3A_310 : vector<256x2048xi1>, vector<256x2048xf32>
    %reduce_sum3A_312 = arith.constant dense<0.000000e+00> : vector<256xf32>
    %reduce_sum3A_313 = vector.multi_reduction <add>, %select_n3A_311, %reduce_sum3A_312 [1] : vector<256x2048xf32> to vector<256xf32>
    %jit3A_314 = arith.constant 0.000000e+00 : f32
    %broadcast_in_dim3A_315 = vector.broadcast %jit3A_314 : f32 to vector<256x2048xf32>
    %select_n3A_316 = arith.select %eq3A_308, %sub3A_23, %broadcast_in_dim3A_315 : vector<256x2048xi1>, vector<256x2048xf32>
    %reduce_sum3A_317 = arith.constant dense<0.000000e+00> : vector<256xf32>
    %reduce_sum3A_318 = vector.multi_reduction <add>, %select_n3A_316, %reduce_sum3A_317 [1] : vector<256x2048xf32> to vector<256xf32>
    %jit3A_319 = arith.constant 0x7F800000 : f32
    %broadcast_in_dim3A_320 = vector.broadcast %jit3A_319 : f32 to vector<256x2048xf32>
    %select_n3A_321 = arith.select %eq3A_308, %broadcast_in_dim3A_320, %select_n3A_276 : vector<256x2048xi1>, vector<256x2048xf32>
    %squeeze3A_322 = vector.shape_cast %broadcast_in_dim3A_306 : vector<256x1xi32> to vector<256xi32>
    %swap3A_323 = arith.constant 0 : index
    %swap3A_324 = arith.constant 0 : index
    %swap3A_325 = arith.constant 6 : index
    %swap3A_326 = vector.load %arg6[%swap3A_323, %swap3A_324, %swap3A_325] : memref<1x256x16xi32, #tpu.memory_space<vmem>>, vector<1x256x1xi32>
    %swap3A_327 = vector.shape_cast %swap3A_326 : vector<1x256x1xi32> to vector<256xi32>
    %swap3A_328 = vector.shape_cast %squeeze3A_322 : vector<256xi32> to vector<1x256x1xi32>
    tpu.vector_store %arg6[%swap3A_323, %swap3A_324, %swap3A_325], %swap3A_328 {strides = array<i32>} : memref<1x256x16xi32, #tpu.memory_space<vmem>>, vector<1x256x1xi32>,
    %swap3A_329 = arith.constant 0 : index
    %swap3A_330 = arith.constant 0 : index
    %swap3A_331 = arith.constant 6 : index
    %swap3A_332 = vector.load %arg7[%swap3A_329, %swap3A_330, %swap3A_331] : memref<1x256x16xf32, #tpu.memory_space<vmem>>, vector<1x256x1xf32>
    %swap3A_333 = vector.shape_cast %swap3A_332 : vector<1x256x1xf32> to vector<256xf32>
    %swap3A_334 = vector.shape_cast %reduce_sum3A_313 : vector<256xf32> to vector<1x256x1xf32>
    tpu.vector_store %arg7[%swap3A_329, %swap3A_330, %swap3A_331], %swap3A_334 {strides = array<i32>} : memref<1x256x16xf32, #tpu.memory_space<vmem>>, vector<1x256x1xf32>,
    %swap3A_335 = arith.constant 0 : index
    %swap3A_336 = arith.constant 0 : index
    %swap3A_337 = arith.constant 6 : index
    %swap3A_338 = vector.load %arg8[%swap3A_335, %swap3A_336, %swap3A_337] : memref<1x256x16xf32, #tpu.memory_space<vmem>>, vector<1x256x1xf32>
    %swap3A_339 = vector.shape_cast %swap3A_338 : vector<1x256x1xf32> to vector<256xf32>
    %swap3A_340 = vector.shape_cast %reduce_sum3A_318 : vector<256xf32> to vector<1x256x1xf32>
    tpu.vector_store %arg8[%swap3A_335, %swap3A_336, %swap3A_337], %swap3A_340 {strides = array<i32>} : memref<1x256x16xf32, #tpu.memory_space<vmem>>, vector<1x256x1xf32>,
    %reduce_min3A_341 = arith.constant dense<0x7F800000> : vector<256xf32>
    %reduce_min3A_342 = vector.multi_reduction <minimumf>, %select_n3A_321, %reduce_min3A_341 [1] : vector<256x2048xf32> to vector<256xf32>
    %broadcast_in_dim3A_343 = vector.shape_cast %reduce_min3A_342 : vector<256xf32> to vector<256x1xf32>
    %eq3A_344 = vector.broadcast %broadcast_in_dim3A_343 : vector<256x1xf32> to vector<256x2048xf32>
    %eq3A_345 = arith.cmpf oeq, %select_n3A_321, %eq3A_344 : vector<256x2048xf32>
    %jit3A_346 = arith.constant 2048 : i32
    %broadcast_in_dim3A_347 = vector.broadcast %jit3A_346 : i32 to vector<256x2048xi32>
    %select_n3A_348 = arith.select %eq3A_345, %iota3A_25, %broadcast_in_dim3A_347 : vector<256x2048xi1>, vector<256x2048xi32>
    %reduce_min3A_349 = arith.constant dense<2147483647> : vector<256xi32>
    %reduce_min3A_350 = vector.multi_reduction <minsi>, %select_n3A_348, %reduce_min3A_349 [1] : vector<256x2048xi32> to vector<256xi32>
    %broadcast_in_dim3A_351 = vector.shape_cast %reduce_min3A_350 : vector<256xi32> to vector<256x1xi32>
    %eq3A_352 = vector.broadcast %broadcast_in_dim3A_351 : vector<256x1xi32> to vector<256x2048xi32>
    %eq3A_353 = arith.cmpi eq, %iota3A_25, %eq3A_352 : vector<256x2048xi32>
    %jit3A_354 = arith.constant 0.000000e+00 : f32
    %broadcast_in_dim3A_355 = vector.broadcast %jit3A_354 : f32 to vector<256x2048xf32>
    %select_n3A_356 = arith.select %eq3A_353, %sub3A_20, %broadcast_in_dim3A_355 : vector<256x2048xi1>, vector<256x2048xf32>
    %reduce_sum3A_357 = arith.constant dense<0.000000e+00> : vector<256xf32>
    %reduce_sum3A_358 = vector.multi_reduction <add>, %select_n3A_356, %reduce_sum3A_357 [1] : vector<256x2048xf32> to vector<256xf32>
    %jit3A_359 = arith.constant 0.000000e+00 : f32
    %broadcast_in_dim3A_360 = vector.broadcast %jit3A_359 : f32 to vector<256x2048xf32>
    %select_n3A_361 = arith.select %eq3A_353, %sub3A_23, %broadcast_in_dim3A_360 : vector<256x2048xi1>, vector<256x2048xf32>
    %reduce_sum3A_362 = arith.constant dense<0.000000e+00> : vector<256xf32>
    %reduce_sum3A_363 = vector.multi_reduction <add>, %select_n3A_361, %reduce_sum3A_362 [1] : vector<256x2048xf32> to vector<256xf32>
    %jit3A_364 = arith.constant 0x7F800000 : f32
    %broadcast_in_dim3A_365 = vector.broadcast %jit3A_364 : f32 to vector<256x2048xf32>
    %select_n3A_366 = arith.select %eq3A_353, %broadcast_in_dim3A_365, %select_n3A_321 : vector<256x2048xi1>, vector<256x2048xf32>
    %squeeze3A_367 = vector.shape_cast %broadcast_in_dim3A_351 : vector<256x1xi32> to vector<256xi32>
    %swap3A_368 = arith.constant 0 : index
    %swap3A_369 = arith.constant 0 : index
    %swap3A_370 = arith.constant 7 : index
    %swap3A_371 = vector.load %arg6[%swap3A_368, %swap3A_369, %swap3A_370] : memref<1x256x16xi32, #tpu.memory_space<vmem>>, vector<1x256x1xi32>
    %swap3A_372 = vector.shape_cast %swap3A_371 : vector<1x256x1xi32> to vector<256xi32>
    %swap3A_373 = vector.shape_cast %squeeze3A_367 : vector<256xi32> to vector<1x256x1xi32>
    tpu.vector_store %arg6[%swap3A_368, %swap3A_369, %swap3A_370], %swap3A_373 {strides = array<i32>} : memref<1x256x16xi32, #tpu.memory_space<vmem>>, vector<1x256x1xi32>,
    %swap3A_374 = arith.constant 0 : index
    %swap3A_375 = arith.constant 0 : index
    %swap3A_376 = arith.constant 7 : index
    %swap3A_377 = vector.load %arg7[%swap3A_374, %swap3A_375, %swap3A_376] : memref<1x256x16xf32, #tpu.memory_space<vmem>>, vector<1x256x1xf32>
    %swap3A_378 = vector.shape_cast %swap3A_377 : vector<1x256x1xf32> to vector<256xf32>
    %swap3A_379 = vector.shape_cast %reduce_sum3A_358 : vector<256xf32> to vector<1x256x1xf32>
    tpu.vector_store %arg7[%swap3A_374, %swap3A_375, %swap3A_376], %swap3A_379 {strides = array<i32>} : memref<1x256x16xf32, #tpu.memory_space<vmem>>, vector<1x256x1xf32>,
    %swap3A_380 = arith.constant 0 : index
    %swap3A_381 = arith.constant 0 : index
    %swap3A_382 = arith.constant 7 : index
    %swap3A_383 = vector.load %arg8[%swap3A_380, %swap3A_381, %swap3A_382] : memref<1x256x16xf32, #tpu.memory_space<vmem>>, vector<1x256x1xf32>
    %swap3A_384 = vector.shape_cast %swap3A_383 : vector<1x256x1xf32> to vector<256xf32>
    %swap3A_385 = vector.shape_cast %reduce_sum3A_363 : vector<256xf32> to vector<1x256x1xf32>
    tpu.vector_store %arg8[%swap3A_380, %swap3A_381, %swap3A_382], %swap3A_385 {strides = array<i32>} : memref<1x256x16xf32, #tpu.memory_space<vmem>>, vector<1x256x1xf32>,
    %reduce_min3A_386 = arith.constant dense<0x7F800000> : vector<256xf32>
    %reduce_min3A_387 = vector.multi_reduction <minimumf>, %select_n3A_366, %reduce_min3A_386 [1] : vector<256x2048xf32> to vector<256xf32>
    %broadcast_in_dim3A_388 = vector.shape_cast %reduce_min3A_387 : vector<256xf32> to vector<256x1xf32>
    %eq3A_389 = vector.broadcast %broadcast_in_dim3A_388 : vector<256x1xf32> to vector<256x2048xf32>
    %eq3A_390 = arith.cmpf oeq, %select_n3A_366, %eq3A_389 : vector<256x2048xf32>
    %jit3A_391 = arith.constant 2048 : i32
    %broadcast_in_dim3A_392 = vector.broadcast %jit3A_391 : i32 to vector<256x2048xi32>
    %select_n3A_393 = arith.select %eq3A_390, %iota3A_25, %broadcast_in_dim3A_392 : vector<256x2048xi1>, vector<256x2048xi32>
    %reduce_min3A_394 = arith.constant dense<2147483647> : vector<256xi32>
    %reduce_min3A_395 = vector.multi_reduction <minsi>, %select_n3A_393, %reduce_min3A_394 [1] : vector<256x2048xi32> to vector<256xi32>
    %broadcast_in_dim3A_396 = vector.shape_cast %reduce_min3A_395 : vector<256xi32> to vector<256x1xi32>
    %eq3A_397 = vector.broadcast %broadcast_in_dim3A_396 : vector<256x1xi32> to vector<256x2048xi32>
    %eq3A_398 = arith.cmpi eq, %iota3A_25, %eq3A_397 : vector<256x2048xi32>
    %jit3A_399 = arith.constant 0.000000e+00 : f32
    %broadcast_in_dim3A_400 = vector.broadcast %jit3A_399 : f32 to vector<256x2048xf32>
    %select_n3A_401 = arith.select %eq3A_398, %sub3A_20, %broadcast_in_dim3A_400 : vector<256x2048xi1>, vector<256x2048xf32>
    %reduce_sum3A_402 = arith.constant dense<0.000000e+00> : vector<256xf32>
    %reduce_sum3A_403 = vector.multi_reduction <add>, %select_n3A_401, %reduce_sum3A_402 [1] : vector<256x2048xf32> to vector<256xf32>
    %jit3A_404 = arith.constant 0.000000e+00 : f32
    %broadcast_in_dim3A_405 = vector.broadcast %jit3A_404 : f32 to vector<256x2048xf32>
    %select_n3A_406 = arith.select %eq3A_398, %sub3A_23, %broadcast_in_dim3A_405 : vector<256x2048xi1>, vector<256x2048xf32>
    %reduce_sum3A_407 = arith.constant dense<0.000000e+00> : vector<256xf32>
    %reduce_sum3A_408 = vector.multi_reduction <add>, %select_n3A_406, %reduce_sum3A_407 [1] : vector<256x2048xf32> to vector<256xf32>
    %jit3A_409 = arith.constant 0x7F800000 : f32
    %broadcast_in_dim3A_410 = vector.broadcast %jit3A_409 : f32 to vector<256x2048xf32>
    %select_n3A_411 = arith.select %eq3A_398, %broadcast_in_dim3A_410, %select_n3A_366 : vector<256x2048xi1>, vector<256x2048xf32>
    %squeeze3A_412 = vector.shape_cast %broadcast_in_dim3A_396 : vector<256x1xi32> to vector<256xi32>
    %swap3A_413 = arith.constant 0 : index
    %swap3A_414 = arith.constant 0 : index
    %swap3A_415 = arith.constant 8 : index
    %swap3A_416 = vector.load %arg6[%swap3A_413, %swap3A_414, %swap3A_415] : memref<1x256x16xi32, #tpu.memory_space<vmem>>, vector<1x256x1xi32>
    %swap3A_417 = vector.shape_cast %swap3A_416 : vector<1x256x1xi32> to vector<256xi32>
    %swap3A_418 = vector.shape_cast %squeeze3A_412 : vector<256xi32> to vector<1x256x1xi32>
    tpu.vector_store %arg6[%swap3A_413, %swap3A_414, %swap3A_415], %swap3A_418 {strides = array<i32>} : memref<1x256x16xi32, #tpu.memory_space<vmem>>, vector<1x256x1xi32>,
    %swap3A_419 = arith.constant 0 : index
    %swap3A_420 = arith.constant 0 : index
    %swap3A_421 = arith.constant 8 : index
    %swap3A_422 = vector.load %arg7[%swap3A_419, %swap3A_420, %swap3A_421] : memref<1x256x16xf32, #tpu.memory_space<vmem>>, vector<1x256x1xf32>
    %swap3A_423 = vector.shape_cast %swap3A_422 : vector<1x256x1xf32> to vector<256xf32>
    %swap3A_424 = vector.shape_cast %reduce_sum3A_403 : vector<256xf32> to vector<1x256x1xf32>
    tpu.vector_store %arg7[%swap3A_419, %swap3A_420, %swap3A_421], %swap3A_424 {strides = array<i32>} : memref<1x256x16xf32, #tpu.memory_space<vmem>>, vector<1x256x1xf32>,
    %swap3A_425 = arith.constant 0 : index
    %swap3A_426 = arith.constant 0 : index
    %swap3A_427 = arith.constant 8 : index
    %swap3A_428 = vector.load %arg8[%swap3A_425, %swap3A_426, %swap3A_427] : memref<1x256x16xf32, #tpu.memory_space<vmem>>, vector<1x256x1xf32>
    %swap3A_429 = vector.shape_cast %swap3A_428 : vector<1x256x1xf32> to vector<256xf32>
    %swap3A_430 = vector.shape_cast %reduce_sum3A_408 : vector<256xf32> to vector<1x256x1xf32>
    tpu.vector_store %arg8[%swap3A_425, %swap3A_426, %swap3A_427], %swap3A_430 {strides = array<i32>} : memref<1x256x16xf32, #tpu.memory_space<vmem>>, vector<1x256x1xf32>,
    %reduce_min3A_431 = arith.constant dense<0x7F800000> : vector<256xf32>
    %reduce_min3A_432 = vector.multi_reduction <minimumf>, %select_n3A_411, %reduce_min3A_431 [1] : vector<256x2048xf32> to vector<256xf32>
    %broadcast_in_dim3A_433 = vector.shape_cast %reduce_min3A_432 : vector<256xf32> to vector<256x1xf32>
    %eq3A_434 = vector.broadcast %broadcast_in_dim3A_433 : vector<256x1xf32> to vector<256x2048xf32>
    %eq3A_435 = arith.cmpf oeq, %select_n3A_411, %eq3A_434 : vector<256x2048xf32>
    %jit3A_436 = arith.constant 2048 : i32
    %broadcast_in_dim3A_437 = vector.broadcast %jit3A_436 : i32 to vector<256x2048xi32>
    %select_n3A_438 = arith.select %eq3A_435, %iota3A_25, %broadcast_in_dim3A_437 : vector<256x2048xi1>, vector<256x2048xi32>
    %reduce_min3A_439 = arith.constant dense<2147483647> : vector<256xi32>
    %reduce_min3A_440 = vector.multi_reduction <minsi>, %select_n3A_438, %reduce_min3A_439 [1] : vector<256x2048xi32> to vector<256xi32>
    %broadcast_in_dim3A_441 = vector.shape_cast %reduce_min3A_440 : vector<256xi32> to vector<256x1xi32>
    %eq3A_442 = vector.broadcast %broadcast_in_dim3A_441 : vector<256x1xi32> to vector<256x2048xi32>
    %eq3A_443 = arith.cmpi eq, %iota3A_25, %eq3A_442 : vector<256x2048xi32>
    %jit3A_444 = arith.constant 0.000000e+00 : f32
    %broadcast_in_dim3A_445 = vector.broadcast %jit3A_444 : f32 to vector<256x2048xf32>
    %select_n3A_446 = arith.select %eq3A_443, %sub3A_20, %broadcast_in_dim3A_445 : vector<256x2048xi1>, vector<256x2048xf32>
    %reduce_sum3A_447 = arith.constant dense<0.000000e+00> : vector<256xf32>
    %reduce_sum3A_448 = vector.multi_reduction <add>, %select_n3A_446, %reduce_sum3A_447 [1] : vector<256x2048xf32> to vector<256xf32>
    %jit3A_449 = arith.constant 0.000000e+00 : f32
    %broadcast_in_dim3A_450 = vector.broadcast %jit3A_449 : f32 to vector<256x2048xf32>
    %select_n3A_451 = arith.select %eq3A_443, %sub3A_23, %broadcast_in_dim3A_450 : vector<256x2048xi1>, vector<256x2048xf32>
    %reduce_sum3A_452 = arith.constant dense<0.000000e+00> : vector<256xf32>
    %reduce_sum3A_453 = vector.multi_reduction <add>, %select_n3A_451, %reduce_sum3A_452 [1] : vector<256x2048xf32> to vector<256xf32>
    %jit3A_454 = arith.constant 0x7F800000 : f32
    %broadcast_in_dim3A_455 = vector.broadcast %jit3A_454 : f32 to vector<256x2048xf32>
    %select_n3A_456 = arith.select %eq3A_443, %broadcast_in_dim3A_455, %select_n3A_411 : vector<256x2048xi1>, vector<256x2048xf32>
    %squeeze3A_457 = vector.shape_cast %broadcast_in_dim3A_441 : vector<256x1xi32> to vector<256xi32>
    %swap3A_458 = arith.constant 0 : index
    %swap3A_459 = arith.constant 0 : index
    %swap3A_460 = arith.constant 9 : index
    %swap3A_461 = vector.load %arg6[%swap3A_458, %swap3A_459, %swap3A_460] : memref<1x256x16xi32, #tpu.memory_space<vmem>>, vector<1x256x1xi32>
    %swap3A_462 = vector.shape_cast %swap3A_461 : vector<1x256x1xi32> to vector<256xi32>
    %swap3A_463 = vector.shape_cast %squeeze3A_457 : vector<256xi32> to vector<1x256x1xi32>
    tpu.vector_store %arg6[%swap3A_458, %swap3A_459, %swap3A_460], %swap3A_463 {strides = array<i32>} : memref<1x256x16xi32, #tpu.memory_space<vmem>>, vector<1x256x1xi32>,
    %swap3A_464 = arith.constant 0 : index
    %swap3A_465 = arith.constant 0 : index
    %swap3A_466 = arith.constant 9 : index
    %swap3A_467 = vector.load %arg7[%swap3A_464, %swap3A_465, %swap3A_466] : memref<1x256x16xf32, #tpu.memory_space<vmem>>, vector<1x256x1xf32>
    %swap3A_468 = vector.shape_cast %swap3A_467 : vector<1x256x1xf32> to vector<256xf32>
    %swap3A_469 = vector.shape_cast %reduce_sum3A_448 : vector<256xf32> to vector<1x256x1xf32>
    tpu.vector_store %arg7[%swap3A_464, %swap3A_465, %swap3A_466], %swap3A_469 {strides = array<i32>} : memref<1x256x16xf32, #tpu.memory_space<vmem>>, vector<1x256x1xf32>,
    %swap3A_470 = arith.constant 0 : index
    %swap3A_471 = arith.constant 0 : index
    %swap3A_472 = arith.constant 9 : index
    %swap3A_473 = vector.load %arg8[%swap3A_470, %swap3A_471, %swap3A_472] : memref<1x256x16xf32, #tpu.memory_space<vmem>>, vector<1x256x1xf32>
    %swap3A_474 = vector.shape_cast %swap3A_473 : vector<1x256x1xf32> to vector<256xf32>
    %swap3A_475 = vector.shape_cast %reduce_sum3A_453 : vector<256xf32> to vector<1x256x1xf32>
    tpu.vector_store %arg8[%swap3A_470, %swap3A_471, %swap3A_472], %swap3A_475 {strides = array<i32>} : memref<1x256x16xf32, #tpu.memory_space<vmem>>, vector<1x256x1xf32>,
    %reduce_min3A_476 = arith.constant dense<0x7F800000> : vector<256xf32>
    %reduce_min3A_477 = vector.multi_reduction <minimumf>, %select_n3A_456, %reduce_min3A_476 [1] : vector<256x2048xf32> to vector<256xf32>
    %broadcast_in_dim3A_478 = vector.shape_cast %reduce_min3A_477 : vector<256xf32> to vector<256x1xf32>
    %eq3A_479 = vector.broadcast %broadcast_in_dim3A_478 : vector<256x1xf32> to vector<256x2048xf32>
    %eq3A_480 = arith.cmpf oeq, %select_n3A_456, %eq3A_479 : vector<256x2048xf32>
    %jit3A_481 = arith.constant 2048 : i32
    %broadcast_in_dim3A_482 = vector.broadcast %jit3A_481 : i32 to vector<256x2048xi32>
    %select_n3A_483 = arith.select %eq3A_480, %iota3A_25, %broadcast_in_dim3A_482 : vector<256x2048xi1>, vector<256x2048xi32>
    %reduce_min3A_484 = arith.constant dense<2147483647> : vector<256xi32>
    %reduce_min3A_485 = vector.multi_reduction <minsi>, %select_n3A_483, %reduce_min3A_484 [1] : vector<256x2048xi32> to vector<256xi32>
    %broadcast_in_dim3A_486 = vector.shape_cast %reduce_min3A_485 : vector<256xi32> to vector<256x1xi32>
    %eq3A_487 = vector.broadcast %broadcast_in_dim3A_486 : vector<256x1xi32> to vector<256x2048xi32>
    %eq3A_488 = arith.cmpi eq, %iota3A_25, %eq3A_487 : vector<256x2048xi32>
    %jit3A_489 = arith.constant 0.000000e+00 : f32
    %broadcast_in_dim3A_490 = vector.broadcast %jit3A_489 : f32 to vector<256x2048xf32>
    %select_n3A_491 = arith.select %eq3A_488, %sub3A_20, %broadcast_in_dim3A_490 : vector<256x2048xi1>, vector<256x2048xf32>
    %reduce_sum3A_492 = arith.constant dense<0.000000e+00> : vector<256xf32>
    %reduce_sum3A_493 = vector.multi_reduction <add>, %select_n3A_491, %reduce_sum3A_492 [1] : vector<256x2048xf32> to vector<256xf32>
    %jit3A_494 = arith.constant 0.000000e+00 : f32
    %broadcast_in_dim3A_495 = vector.broadcast %jit3A_494 : f32 to vector<256x2048xf32>
    %select_n3A_496 = arith.select %eq3A_488, %sub3A_23, %broadcast_in_dim3A_495 : vector<256x2048xi1>, vector<256x2048xf32>
    %reduce_sum3A_497 = arith.constant dense<0.000000e+00> : vector<256xf32>
    %reduce_sum3A_498 = vector.multi_reduction <add>, %select_n3A_496, %reduce_sum3A_497 [1] : vector<256x2048xf32> to vector<256xf32>
    %jit3A_499 = arith.constant 0x7F800000 : f32
    %broadcast_in_dim3A_500 = vector.broadcast %jit3A_499 : f32 to vector<256x2048xf32>
    %select_n3A_501 = arith.select %eq3A_488, %broadcast_in_dim3A_500, %select_n3A_456 : vector<256x2048xi1>, vector<256x2048xf32>
    %squeeze3A_502 = vector.shape_cast %broadcast_in_dim3A_486 : vector<256x1xi32> to vector<256xi32>
    %swap3A_503 = arith.constant 0 : index
    %swap3A_504 = arith.constant 0 : index
    %swap3A_505 = arith.constant 10 : index
    %swap3A_506 = vector.load %arg6[%swap3A_503, %swap3A_504, %swap3A_505] : memref<1x256x16xi32, #tpu.memory_space<vmem>>, vector<1x256x1xi32>
    %swap3A_507 = vector.shape_cast %swap3A_506 : vector<1x256x1xi32> to vector<256xi32>
    %swap3A_508 = vector.shape_cast %squeeze3A_502 : vector<256xi32> to vector<1x256x1xi32>
    tpu.vector_store %arg6[%swap3A_503, %swap3A_504, %swap3A_505], %swap3A_508 {strides = array<i32>} : memref<1x256x16xi32, #tpu.memory_space<vmem>>, vector<1x256x1xi32>,
    %swap3A_509 = arith.constant 0 : index
    %swap3A_510 = arith.constant 0 : index
    %swap3A_511 = arith.constant 10 : index
    %swap3A_512 = vector.load %arg7[%swap3A_509, %swap3A_510, %swap3A_511] : memref<1x256x16xf32, #tpu.memory_space<vmem>>, vector<1x256x1xf32>
    %swap3A_513 = vector.shape_cast %swap3A_512 : vector<1x256x1xf32> to vector<256xf32>
    %swap3A_514 = vector.shape_cast %reduce_sum3A_493 : vector<256xf32> to vector<1x256x1xf32>
    tpu.vector_store %arg7[%swap3A_509, %swap3A_510, %swap3A_511], %swap3A_514 {strides = array<i32>} : memref<1x256x16xf32, #tpu.memory_space<vmem>>, vector<1x256x1xf32>,
    %swap3A_515 = arith.constant 0 : index
    %swap3A_516 = arith.constant 0 : index
    %swap3A_517 = arith.constant 10 : index
    %swap3A_518 = vector.load %arg8[%swap3A_515, %swap3A_516, %swap3A_517] : memref<1x256x16xf32, #tpu.memory_space<vmem>>, vector<1x256x1xf32>
    %swap3A_519 = vector.shape_cast %swap3A_518 : vector<1x256x1xf32> to vector<256xf32>
    %swap3A_520 = vector.shape_cast %reduce_sum3A_498 : vector<256xf32> to vector<1x256x1xf32>
    tpu.vector_store %arg8[%swap3A_515, %swap3A_516, %swap3A_517], %swap3A_520 {strides = array<i32>} : memref<1x256x16xf32, #tpu.memory_space<vmem>>, vector<1x256x1xf32>,
    %reduce_min3A_521 = arith.constant dense<0x7F800000> : vector<256xf32>
    %reduce_min3A_522 = vector.multi_reduction <minimumf>, %select_n3A_501, %reduce_min3A_521 [1] : vector<256x2048xf32> to vector<256xf32>
    %broadcast_in_dim3A_523 = vector.shape_cast %reduce_min3A_522 : vector<256xf32> to vector<256x1xf32>
    %eq3A_524 = vector.broadcast %broadcast_in_dim3A_523 : vector<256x1xf32> to vector<256x2048xf32>
    %eq3A_525 = arith.cmpf oeq, %select_n3A_501, %eq3A_524 : vector<256x2048xf32>
    %jit3A_526 = arith.constant 2048 : i32
    %broadcast_in_dim3A_527 = vector.broadcast %jit3A_526 : i32 to vector<256x2048xi32>
    %select_n3A_528 = arith.select %eq3A_525, %iota3A_25, %broadcast_in_dim3A_527 : vector<256x2048xi1>, vector<256x2048xi32>
    %reduce_min3A_529 = arith.constant dense<2147483647> : vector<256xi32>
    %reduce_min3A_530 = vector.multi_reduction <minsi>, %select_n3A_528, %reduce_min3A_529 [1] : vector<256x2048xi32> to vector<256xi32>
    %broadcast_in_dim3A_531 = vector.shape_cast %reduce_min3A_530 : vector<256xi32> to vector<256x1xi32>
    %eq3A_532 = vector.broadcast %broadcast_in_dim3A_531 : vector<256x1xi32> to vector<256x2048xi32>
    %eq3A_533 = arith.cmpi eq, %iota3A_25, %eq3A_532 : vector<256x2048xi32>
    %jit3A_534 = arith.constant 0.000000e+00 : f32
    %broadcast_in_dim3A_535 = vector.broadcast %jit3A_534 : f32 to vector<256x2048xf32>
    %select_n3A_536 = arith.select %eq3A_533, %sub3A_20, %broadcast_in_dim3A_535 : vector<256x2048xi1>, vector<256x2048xf32>
    %reduce_sum3A_537 = arith.constant dense<0.000000e+00> : vector<256xf32>
    %reduce_sum3A_538 = vector.multi_reduction <add>, %select_n3A_536, %reduce_sum3A_537 [1] : vector<256x2048xf32> to vector<256xf32>
    %jit3A_539 = arith.constant 0.000000e+00 : f32
    %broadcast_in_dim3A_540 = vector.broadcast %jit3A_539 : f32 to vector<256x2048xf32>
    %select_n3A_541 = arith.select %eq3A_533, %sub3A_23, %broadcast_in_dim3A_540 : vector<256x2048xi1>, vector<256x2048xf32>
    %reduce_sum3A_542 = arith.constant dense<0.000000e+00> : vector<256xf32>
    %reduce_sum3A_543 = vector.multi_reduction <add>, %select_n3A_541, %reduce_sum3A_542 [1] : vector<256x2048xf32> to vector<256xf32>
    %jit3A_544 = arith.constant 0x7F800000 : f32
    %broadcast_in_dim3A_545 = vector.broadcast %jit3A_544 : f32 to vector<256x2048xf32>
    %select_n3A_546 = arith.select %eq3A_533, %broadcast_in_dim3A_545, %select_n3A_501 : vector<256x2048xi1>, vector<256x2048xf32>
    %squeeze3A_547 = vector.shape_cast %broadcast_in_dim3A_531 : vector<256x1xi32> to vector<256xi32>
    %swap3A_548 = arith.constant 0 : index
    %swap3A_549 = arith.constant 0 : index
    %swap3A_550 = arith.constant 11 : index
    %swap3A_551 = vector.load %arg6[%swap3A_548, %swap3A_549, %swap3A_550] : memref<1x256x16xi32, #tpu.memory_space<vmem>>, vector<1x256x1xi32>
    %swap3A_552 = vector.shape_cast %swap3A_551 : vector<1x256x1xi32> to vector<256xi32>
    %swap3A_553 = vector.shape_cast %squeeze3A_547 : vector<256xi32> to vector<1x256x1xi32>
    tpu.vector_store %arg6[%swap3A_548, %swap3A_549, %swap3A_550], %swap3A_553 {strides = array<i32>} : memref<1x256x16xi32, #tpu.memory_space<vmem>>, vector<1x256x1xi32>,
    %swap3A_554 = arith.constant 0 : index
    %swap3A_555 = arith.constant 0 : index
    %swap3A_556 = arith.constant 11 : index
    %swap3A_557 = vector.load %arg7[%swap3A_554, %swap3A_555, %swap3A_556] : memref<1x256x16xf32, #tpu.memory_space<vmem>>, vector<1x256x1xf32>
    %swap3A_558 = vector.shape_cast %swap3A_557 : vector<1x256x1xf32> to vector<256xf32>
    %swap3A_559 = vector.shape_cast %reduce_sum3A_538 : vector<256xf32> to vector<1x256x1xf32>
    tpu.vector_store %arg7[%swap3A_554, %swap3A_555, %swap3A_556], %swap3A_559 {strides = array<i32>} : memref<1x256x16xf32, #tpu.memory_space<vmem>>, vector<1x256x1xf32>,
    %swap3A_560 = arith.constant 0 : index
    %swap3A_561 = arith.constant 0 : index
    %swap3A_562 = arith.constant 11 : index
    %swap3A_563 = vector.load %arg8[%swap3A_560, %swap3A_561, %swap3A_562] : memref<1x256x16xf32, #tpu.memory_space<vmem>>, vector<1x256x1xf32>
    %swap3A_564 = vector.shape_cast %swap3A_563 : vector<1x256x1xf32> to vector<256xf32>
    %swap3A_565 = vector.shape_cast %reduce_sum3A_543 : vector<256xf32> to vector<1x256x1xf32>
    tpu.vector_store %arg8[%swap3A_560, %swap3A_561, %swap3A_562], %swap3A_565 {strides = array<i32>} : memref<1x256x16xf32, #tpu.memory_space<vmem>>, vector<1x256x1xf32>,
    %reduce_min3A_566 = arith.constant dense<0x7F800000> : vector<256xf32>
    %reduce_min3A_567 = vector.multi_reduction <minimumf>, %select_n3A_546, %reduce_min3A_566 [1] : vector<256x2048xf32> to vector<256xf32>
    %broadcast_in_dim3A_568 = vector.shape_cast %reduce_min3A_567 : vector<256xf32> to vector<256x1xf32>
    %eq3A_569 = vector.broadcast %broadcast_in_dim3A_568 : vector<256x1xf32> to vector<256x2048xf32>
    %eq3A_570 = arith.cmpf oeq, %select_n3A_546, %eq3A_569 : vector<256x2048xf32>
    %jit3A_571 = arith.constant 2048 : i32
    %broadcast_in_dim3A_572 = vector.broadcast %jit3A_571 : i32 to vector<256x2048xi32>
    %select_n3A_573 = arith.select %eq3A_570, %iota3A_25, %broadcast_in_dim3A_572 : vector<256x2048xi1>, vector<256x2048xi32>
    %reduce_min3A_574 = arith.constant dense<2147483647> : vector<256xi32>
    %reduce_min3A_575 = vector.multi_reduction <minsi>, %select_n3A_573, %reduce_min3A_574 [1] : vector<256x2048xi32> to vector<256xi32>
    %broadcast_in_dim3A_576 = vector.shape_cast %reduce_min3A_575 : vector<256xi32> to vector<256x1xi32>
    %eq3A_577 = vector.broadcast %broadcast_in_dim3A_576 : vector<256x1xi32> to vector<256x2048xi32>
    %eq3A_578 = arith.cmpi eq, %iota3A_25, %eq3A_577 : vector<256x2048xi32>
    %jit3A_579 = arith.constant 0.000000e+00 : f32
    %broadcast_in_dim3A_580 = vector.broadcast %jit3A_579 : f32 to vector<256x2048xf32>
    %select_n3A_581 = arith.select %eq3A_578, %sub3A_20, %broadcast_in_dim3A_580 : vector<256x2048xi1>, vector<256x2048xf32>
    %reduce_sum3A_582 = arith.constant dense<0.000000e+00> : vector<256xf32>
    %reduce_sum3A_583 = vector.multi_reduction <add>, %select_n3A_581, %reduce_sum3A_582 [1] : vector<256x2048xf32> to vector<256xf32>
    %jit3A_584 = arith.constant 0.000000e+00 : f32
    %broadcast_in_dim3A_585 = vector.broadcast %jit3A_584 : f32 to vector<256x2048xf32>
    %select_n3A_586 = arith.select %eq3A_578, %sub3A_23, %broadcast_in_dim3A_585 : vector<256x2048xi1>, vector<256x2048xf32>
    %reduce_sum3A_587 = arith.constant dense<0.000000e+00> : vector<256xf32>
    %reduce_sum3A_588 = vector.multi_reduction <add>, %select_n3A_586, %reduce_sum3A_587 [1] : vector<256x2048xf32> to vector<256xf32>
    %jit3A_589 = arith.constant 0x7F800000 : f32
    %broadcast_in_dim3A_590 = vector.broadcast %jit3A_589 : f32 to vector<256x2048xf32>
    %select_n3A_591 = arith.select %eq3A_578, %broadcast_in_dim3A_590, %select_n3A_546 : vector<256x2048xi1>, vector<256x2048xf32>
    %squeeze3A_592 = vector.shape_cast %broadcast_in_dim3A_576 : vector<256x1xi32> to vector<256xi32>
    %swap3A_593 = arith.constant 0 : index
    %swap3A_594 = arith.constant 0 : index
    %swap3A_595 = arith.constant 12 : index
    %swap3A_596 = vector.load %arg6[%swap3A_593, %swap3A_594, %swap3A_595] : memref<1x256x16xi32, #tpu.memory_space<vmem>>, vector<1x256x1xi32>
    %swap3A_597 = vector.shape_cast %swap3A_596 : vector<1x256x1xi32> to vector<256xi32>
    %swap3A_598 = vector.shape_cast %squeeze3A_592 : vector<256xi32> to vector<1x256x1xi32>
    tpu.vector_store %arg6[%swap3A_593, %swap3A_594, %swap3A_595], %swap3A_598 {strides = array<i32>} : memref<1x256x16xi32, #tpu.memory_space<vmem>>, vector<1x256x1xi32>,
    %swap3A_599 = arith.constant 0 : index
    %swap3A_600 = arith.constant 0 : index
    %swap3A_601 = arith.constant 12 : index
    %swap3A_602 = vector.load %arg7[%swap3A_599, %swap3A_600, %swap3A_601] : memref<1x256x16xf32, #tpu.memory_space<vmem>>, vector<1x256x1xf32>
    %swap3A_603 = vector.shape_cast %swap3A_602 : vector<1x256x1xf32> to vector<256xf32>
    %swap3A_604 = vector.shape_cast %reduce_sum3A_583 : vector<256xf32> to vector<1x256x1xf32>
    tpu.vector_store %arg7[%swap3A_599, %swap3A_600, %swap3A_601], %swap3A_604 {strides = array<i32>} : memref<1x256x16xf32, #tpu.memory_space<vmem>>, vector<1x256x1xf32>,
    %swap3A_605 = arith.constant 0 : index
    %swap3A_606 = arith.constant 0 : index
    %swap3A_607 = arith.constant 12 : index
    %swap3A_608 = vector.load %arg8[%swap3A_605, %swap3A_606, %swap3A_607] : memref<1x256x16xf32, #tpu.memory_space<vmem>>, vector<1x256x1xf32>
    %swap3A_609 = vector.shape_cast %swap3A_608 : vector<1x256x1xf32> to vector<256xf32>
    %swap3A_610 = vector.shape_cast %reduce_sum3A_588 : vector<256xf32> to vector<1x256x1xf32>
    tpu.vector_store %arg8[%swap3A_605, %swap3A_606, %swap3A_607], %swap3A_610 {strides = array<i32>} : memref<1x256x16xf32, #tpu.memory_space<vmem>>, vector<1x256x1xf32>,
    %reduce_min3A_611 = arith.constant dense<0x7F800000> : vector<256xf32>
    %reduce_min3A_612 = vector.multi_reduction <minimumf>, %select_n3A_591, %reduce_min3A_611 [1] : vector<256x2048xf32> to vector<256xf32>
    %broadcast_in_dim3A_613 = vector.shape_cast %reduce_min3A_612 : vector<256xf32> to vector<256x1xf32>
    %eq3A_614 = vector.broadcast %broadcast_in_dim3A_613 : vector<256x1xf32> to vector<256x2048xf32>
    %eq3A_615 = arith.cmpf oeq, %select_n3A_591, %eq3A_614 : vector<256x2048xf32>
    %jit3A_616 = arith.constant 2048 : i32
    %broadcast_in_dim3A_617 = vector.broadcast %jit3A_616 : i32 to vector<256x2048xi32>
    %select_n3A_618 = arith.select %eq3A_615, %iota3A_25, %broadcast_in_dim3A_617 : vector<256x2048xi1>, vector<256x2048xi32>
    %reduce_min3A_619 = arith.constant dense<2147483647> : vector<256xi32>
    %reduce_min3A_620 = vector.multi_reduction <minsi>, %select_n3A_618, %reduce_min3A_619 [1] : vector<256x2048xi32> to vector<256xi32>
    %broadcast_in_dim3A_621 = vector.shape_cast %reduce_min3A_620 : vector<256xi32> to vector<256x1xi32>
    %eq3A_622 = vector.broadcast %broadcast_in_dim3A_621 : vector<256x1xi32> to vector<256x2048xi32>
    %eq3A_623 = arith.cmpi eq, %iota3A_25, %eq3A_622 : vector<256x2048xi32>
    %jit3A_624 = arith.constant 0.000000e+00 : f32
    %broadcast_in_dim3A_625 = vector.broadcast %jit3A_624 : f32 to vector<256x2048xf32>
    %select_n3A_626 = arith.select %eq3A_623, %sub3A_20, %broadcast_in_dim3A_625 : vector<256x2048xi1>, vector<256x2048xf32>
    %reduce_sum3A_627 = arith.constant dense<0.000000e+00> : vector<256xf32>
    %reduce_sum3A_628 = vector.multi_reduction <add>, %select_n3A_626, %reduce_sum3A_627 [1] : vector<256x2048xf32> to vector<256xf32>
    %jit3A_629 = arith.constant 0.000000e+00 : f32
    %broadcast_in_dim3A_630 = vector.broadcast %jit3A_629 : f32 to vector<256x2048xf32>
    %select_n3A_631 = arith.select %eq3A_623, %sub3A_23, %broadcast_in_dim3A_630 : vector<256x2048xi1>, vector<256x2048xf32>
    %reduce_sum3A_632 = arith.constant dense<0.000000e+00> : vector<256xf32>
    %reduce_sum3A_633 = vector.multi_reduction <add>, %select_n3A_631, %reduce_sum3A_632 [1] : vector<256x2048xf32> to vector<256xf32>
    %jit3A_634 = arith.constant 0x7F800000 : f32
    %broadcast_in_dim3A_635 = vector.broadcast %jit3A_634 : f32 to vector<256x2048xf32>
    %select_n3A_636 = arith.select %eq3A_623, %broadcast_in_dim3A_635, %select_n3A_591 : vector<256x2048xi1>, vector<256x2048xf32>
    %squeeze3A_637 = vector.shape_cast %broadcast_in_dim3A_621 : vector<256x1xi32> to vector<256xi32>
    %swap3A_638 = arith.constant 0 : index
    %swap3A_639 = arith.constant 0 : index
    %swap3A_640 = arith.constant 13 : index
    %swap3A_641 = vector.load %arg6[%swap3A_638, %swap3A_639, %swap3A_640] : memref<1x256x16xi32, #tpu.memory_space<vmem>>, vector<1x256x1xi32>
    %swap3A_642 = vector.shape_cast %swap3A_641 : vector<1x256x1xi32> to vector<256xi32>
    %swap3A_643 = vector.shape_cast %squeeze3A_637 : vector<256xi32> to vector<1x256x1xi32>
    tpu.vector_store %arg6[%swap3A_638, %swap3A_639, %swap3A_640], %swap3A_643 {strides = array<i32>} : memref<1x256x16xi32, #tpu.memory_space<vmem>>, vector<1x256x1xi32>,
    %swap3A_644 = arith.constant 0 : index
    %swap3A_645 = arith.constant 0 : index
    %swap3A_646 = arith.constant 13 : index
    %swap3A_647 = vector.load %arg7[%swap3A_644, %swap3A_645, %swap3A_646] : memref<1x256x16xf32, #tpu.memory_space<vmem>>, vector<1x256x1xf32>
    %swap3A_648 = vector.shape_cast %swap3A_647 : vector<1x256x1xf32> to vector<256xf32>
    %swap3A_649 = vector.shape_cast %reduce_sum3A_628 : vector<256xf32> to vector<1x256x1xf32>
    tpu.vector_store %arg7[%swap3A_644, %swap3A_645, %swap3A_646], %swap3A_649 {strides = array<i32>} : memref<1x256x16xf32, #tpu.memory_space<vmem>>, vector<1x256x1xf32>,
    %swap3A_650 = arith.constant 0 : index
    %swap3A_651 = arith.constant 0 : index
    %swap3A_652 = arith.constant 13 : index
    %swap3A_653 = vector.load %arg8[%swap3A_650, %swap3A_651, %swap3A_652] : memref<1x256x16xf32, #tpu.memory_space<vmem>>, vector<1x256x1xf32>
    %swap3A_654 = vector.shape_cast %swap3A_653 : vector<1x256x1xf32> to vector<256xf32>
    %swap3A_655 = vector.shape_cast %reduce_sum3A_633 : vector<256xf32> to vector<1x256x1xf32>
    tpu.vector_store %arg8[%swap3A_650, %swap3A_651, %swap3A_652], %swap3A_655 {strides = array<i32>} : memref<1x256x16xf32, #tpu.memory_space<vmem>>, vector<1x256x1xf32>,
    %reduce_min3A_656 = arith.constant dense<0x7F800000> : vector<256xf32>
    %reduce_min3A_657 = vector.multi_reduction <minimumf>, %select_n3A_636, %reduce_min3A_656 [1] : vector<256x2048xf32> to vector<256xf32>
    %broadcast_in_dim3A_658 = vector.shape_cast %reduce_min3A_657 : vector<256xf32> to vector<256x1xf32>
    %eq3A_659 = vector.broadcast %broadcast_in_dim3A_658 : vector<256x1xf32> to vector<256x2048xf32>
    %eq3A_660 = arith.cmpf oeq, %select_n3A_636, %eq3A_659 : vector<256x2048xf32>
    %jit3A_661 = arith.constant 2048 : i32
    %broadcast_in_dim3A_662 = vector.broadcast %jit3A_661 : i32 to vector<256x2048xi32>
    %select_n3A_663 = arith.select %eq3A_660, %iota3A_25, %broadcast_in_dim3A_662 : vector<256x2048xi1>, vector<256x2048xi32>
    %reduce_min3A_664 = arith.constant dense<2147483647> : vector<256xi32>
    %reduce_min3A_665 = vector.multi_reduction <minsi>, %select_n3A_663, %reduce_min3A_664 [1] : vector<256x2048xi32> to vector<256xi32>
    %broadcast_in_dim3A_666 = vector.shape_cast %reduce_min3A_665 : vector<256xi32> to vector<256x1xi32>
    %eq3A_667 = vector.broadcast %broadcast_in_dim3A_666 : vector<256x1xi32> to vector<256x2048xi32>
    %eq3A_668 = arith.cmpi eq, %iota3A_25, %eq3A_667 : vector<256x2048xi32>
    %jit3A_669 = arith.constant 0.000000e+00 : f32
    %broadcast_in_dim3A_670 = vector.broadcast %jit3A_669 : f32 to vector<256x2048xf32>
    %select_n3A_671 = arith.select %eq3A_668, %sub3A_20, %broadcast_in_dim3A_670 : vector<256x2048xi1>, vector<256x2048xf32>
    %reduce_sum3A_672 = arith.constant dense<0.000000e+00> : vector<256xf32>
    %reduce_sum3A_673 = vector.multi_reduction <add>, %select_n3A_671, %reduce_sum3A_672 [1] : vector<256x2048xf32> to vector<256xf32>
    %jit3A_674 = arith.constant 0.000000e+00 : f32
    %broadcast_in_dim3A_675 = vector.broadcast %jit3A_674 : f32 to vector<256x2048xf32>
    %select_n3A_676 = arith.select %eq3A_668, %sub3A_23, %broadcast_in_dim3A_675 : vector<256x2048xi1>, vector<256x2048xf32>
    %reduce_sum3A_677 = arith.constant dense<0.000000e+00> : vector<256xf32>
    %reduce_sum3A_678 = vector.multi_reduction <add>, %select_n3A_676, %reduce_sum3A_677 [1] : vector<256x2048xf32> to vector<256xf32>
    %jit3A_679 = arith.constant 0x7F800000 : f32
    %broadcast_in_dim3A_680 = vector.broadcast %jit3A_679 : f32 to vector<256x2048xf32>
    %select_n3A_681 = arith.select %eq3A_668, %broadcast_in_dim3A_680, %select_n3A_636 : vector<256x2048xi1>, vector<256x2048xf32>
    %squeeze3A_682 = vector.shape_cast %broadcast_in_dim3A_666 : vector<256x1xi32> to vector<256xi32>
    %swap3A_683 = arith.constant 0 : index
    %swap3A_684 = arith.constant 0 : index
    %swap3A_685 = arith.constant 14 : index
    %swap3A_686 = vector.load %arg6[%swap3A_683, %swap3A_684, %swap3A_685] : memref<1x256x16xi32, #tpu.memory_space<vmem>>, vector<1x256x1xi32>
    %swap3A_687 = vector.shape_cast %swap3A_686 : vector<1x256x1xi32> to vector<256xi32>
    %swap3A_688 = vector.shape_cast %squeeze3A_682 : vector<256xi32> to vector<1x256x1xi32>
    tpu.vector_store %arg6[%swap3A_683, %swap3A_684, %swap3A_685], %swap3A_688 {strides = array<i32>} : memref<1x256x16xi32, #tpu.memory_space<vmem>>, vector<1x256x1xi32>,
    %swap3A_689 = arith.constant 0 : index
    %swap3A_690 = arith.constant 0 : index
    %swap3A_691 = arith.constant 14 : index
    %swap3A_692 = vector.load %arg7[%swap3A_689, %swap3A_690, %swap3A_691] : memref<1x256x16xf32, #tpu.memory_space<vmem>>, vector<1x256x1xf32>
    %swap3A_693 = vector.shape_cast %swap3A_692 : vector<1x256x1xf32> to vector<256xf32>
    %swap3A_694 = vector.shape_cast %reduce_sum3A_673 : vector<256xf32> to vector<1x256x1xf32>
    tpu.vector_store %arg7[%swap3A_689, %swap3A_690, %swap3A_691], %swap3A_694 {strides = array<i32>} : memref<1x256x16xf32, #tpu.memory_space<vmem>>, vector<1x256x1xf32>,
    %swap3A_695 = arith.constant 0 : index
    %swap3A_696 = arith.constant 0 : index
    %swap3A_697 = arith.constant 14 : index
    %swap3A_698 = vector.load %arg8[%swap3A_695, %swap3A_696, %swap3A_697] : memref<1x256x16xf32, #tpu.memory_space<vmem>>, vector<1x256x1xf32>
    %swap3A_699 = vector.shape_cast %swap3A_698 : vector<1x256x1xf32> to vector<256xf32>
    %swap3A_700 = vector.shape_cast %reduce_sum3A_678 : vector<256xf32> to vector<1x256x1xf32>
    tpu.vector_store %arg8[%swap3A_695, %swap3A_696, %swap3A_697], %swap3A_700 {strides = array<i32>} : memref<1x256x16xf32, #tpu.memory_space<vmem>>, vector<1x256x1xf32>,
    %reduce_min3A_701 = arith.constant dense<0x7F800000> : vector<256xf32>
    %reduce_min3A_702 = vector.multi_reduction <minimumf>, %select_n3A_681, %reduce_min3A_701 [1] : vector<256x2048xf32> to vector<256xf32>
    %broadcast_in_dim3A_703 = vector.shape_cast %reduce_min3A_702 : vector<256xf32> to vector<256x1xf32>
    %eq3A_704 = vector.broadcast %broadcast_in_dim3A_703 : vector<256x1xf32> to vector<256x2048xf32>
    %eq3A_705 = arith.cmpf oeq, %select_n3A_681, %eq3A_704 : vector<256x2048xf32>
    %jit3A_706 = arith.constant 2048 : i32
    %broadcast_in_dim3A_707 = vector.broadcast %jit3A_706 : i32 to vector<256x2048xi32>
    %select_n3A_708 = arith.select %eq3A_705, %iota3A_25, %broadcast_in_dim3A_707 : vector<256x2048xi1>, vector<256x2048xi32>
    %reduce_min3A_709 = arith.constant dense<2147483647> : vector<256xi32>
    %reduce_min3A_710 = vector.multi_reduction <minsi>, %select_n3A_708, %reduce_min3A_709 [1] : vector<256x2048xi32> to vector<256xi32>
    %broadcast_in_dim3A_711 = vector.shape_cast %reduce_min3A_710 : vector<256xi32> to vector<256x1xi32>
    %eq3A_712 = vector.broadcast %broadcast_in_dim3A_711 : vector<256x1xi32> to vector<256x2048xi32>
    %eq3A_713 = arith.cmpi eq, %iota3A_25, %eq3A_712 : vector<256x2048xi32>
    %jit3A_714 = arith.constant 0.000000e+00 : f32
    %broadcast_in_dim3A_715 = vector.broadcast %jit3A_714 : f32 to vector<256x2048xf32>
    %select_n3A_716 = arith.select %eq3A_713, %sub3A_20, %broadcast_in_dim3A_715 : vector<256x2048xi1>, vector<256x2048xf32>
    %reduce_sum3A_717 = arith.constant dense<0.000000e+00> : vector<256xf32>
    %reduce_sum3A_718 = vector.multi_reduction <add>, %select_n3A_716, %reduce_sum3A_717 [1] : vector<256x2048xf32> to vector<256xf32>
    %jit3A_719 = arith.constant 0.000000e+00 : f32
    %broadcast_in_dim3A_720 = vector.broadcast %jit3A_719 : f32 to vector<256x2048xf32>
    %select_n3A_721 = arith.select %eq3A_713, %sub3A_23, %broadcast_in_dim3A_720 : vector<256x2048xi1>, vector<256x2048xf32>
    %reduce_sum3A_722 = arith.constant dense<0.000000e+00> : vector<256xf32>
    %reduce_sum3A_723 = vector.multi_reduction <add>, %select_n3A_721, %reduce_sum3A_722 [1] : vector<256x2048xf32> to vector<256xf32>
    %squeeze3A_724 = vector.shape_cast %broadcast_in_dim3A_711 : vector<256x1xi32> to vector<256xi32>
    %swap3A_725 = arith.constant 0 : index
    %swap3A_726 = arith.constant 0 : index
    %swap3A_727 = arith.constant 15 : index
    %swap3A_728 = vector.load %arg6[%swap3A_725, %swap3A_726, %swap3A_727] : memref<1x256x16xi32, #tpu.memory_space<vmem>>, vector<1x256x1xi32>
    %swap3A_729 = vector.shape_cast %swap3A_728 : vector<1x256x1xi32> to vector<256xi32>
    %swap3A_730 = vector.shape_cast %squeeze3A_724 : vector<256xi32> to vector<1x256x1xi32>
    tpu.vector_store %arg6[%swap3A_725, %swap3A_726, %swap3A_727], %swap3A_730 {strides = array<i32>} : memref<1x256x16xi32, #tpu.memory_space<vmem>>, vector<1x256x1xi32>,
    %swap3A_731 = arith.constant 0 : index
    %swap3A_732 = arith.constant 0 : index
    %swap3A_733 = arith.constant 15 : index
    %swap3A_734 = vector.load %arg7[%swap3A_731, %swap3A_732, %swap3A_733] : memref<1x256x16xf32, #tpu.memory_space<vmem>>, vector<1x256x1xf32>
    %swap3A_735 = vector.shape_cast %swap3A_734 : vector<1x256x1xf32> to vector<256xf32>
    %swap3A_736 = vector.shape_cast %reduce_sum3A_718 : vector<256xf32> to vector<1x256x1xf32>
    tpu.vector_store %arg7[%swap3A_731, %swap3A_732, %swap3A_733], %swap3A_736 {strides = array<i32>} : memref<1x256x16xf32, #tpu.memory_space<vmem>>, vector<1x256x1xf32>,
    %swap3A_737 = arith.constant 0 : index
    %swap3A_738 = arith.constant 0 : index
    %swap3A_739 = arith.constant 15 : index
    %swap3A_740 = vector.load %arg8[%swap3A_737, %swap3A_738, %swap3A_739] : memref<1x256x16xf32, #tpu.memory_space<vmem>>, vector<1x256x1xf32>
    %swap3A_741 = vector.shape_cast %swap3A_740 : vector<1x256x1xf32> to vector<256xf32>
    %swap3A_742 = vector.shape_cast %reduce_sum3A_723 : vector<256xf32> to vector<1x256x1xf32>
    tpu.vector_store %arg8[%swap3A_737, %swap3A_738, %swap3A_739], %swap3A_742 {strides = array<i32>} : memref<1x256x16xf32, #tpu.memory_space<vmem>>, vector<1x256x1xf32>,
    return
  }
  func.func @transform_0(%arg0: i32, %arg1: i32) -> (i32, i32, i32) {
    %c0_i32 = arith.constant 0 : i32
    %c0_i32_0 = arith.constant 0 : i32
    return %arg0, %arg1, %c0_i32 : i32, i32, i32
  }
  func.func @transform_1(%arg0: i32, %arg1: i32) -> (i32, i32, i32) {
    %c0_i32 = arith.constant 0 : i32
    %c0_i32_0 = arith.constant 0 : i32
    return %arg0, %arg1, %c0_i32 : i32, i32, i32
  }
  func.func @transform_2(%arg0: i32, %arg1: i32) -> (i32, i32, i32) {
    %c0_i32 = arith.constant 0 : i32
    %c0_i32_0 = arith.constant 0 : i32
    %c0_i32_1 = arith.constant 0 : i32
    return %arg0, %c0_i32, %c0_i32_0 : i32, i32, i32
  }
  func.func @transform_3(%arg0: i32, %arg1: i32) -> (i32, i32, i32) {
    %c0_i32 = arith.constant 0 : i32
    %c0_i32_0 = arith.constant 0 : i32
    %c0_i32_1 = arith.constant 0 : i32
    return %arg0, %c0_i32, %c0_i32_0 : i32, i32, i32
  }
  func.func @transform_4(%arg0: i32, %arg1: i32) -> (i32, i32, i32) {
    %c0_i32 = arith.constant 0 : i32
    %c0_i32_0 = arith.constant 0 : i32
    return %arg0, %arg1, %c0_i32 : i32, i32, i32
  }
  func.func @transform_5(%arg0: i32, %arg1: i32) -> (i32, i32, i32) {
    %c0_i32 = arith.constant 0 : i32
    %c0_i32_0 = arith.constant 0 : i32
    return %arg0, %arg1, %c0_i32 : i32, i32, i32
  }
  func.func @transform_6(%arg0: i32, %arg1: i32) -> (i32, i32, i32) {
    %c0_i32 = arith.constant 0 : i32
    %c0_i32_0 = arith.constant 0 : i32
    return %arg0, %arg1, %c0_i32 : i32, i32, i32
  }
}

module attributes {stable_mosaic.version = 14 : i64} {
  func.func @_encode_body(%arg0: i32, %arg1: memref<256x16xf32, #tpu.memory_space<vmem>>, %arg2: memref<256x16xf32, #tpu.memory_space<vmem>>, %arg3: memref<256x2080xf32, #tpu.memory_space<vmem>>, %arg4: memref<256x16xf32, #tpu.memory_space<vmem>>, %arg5: memref<256x130xf32, #tpu.memory_space<vmem>>) attributes {dimension_semantics = [#tpu.dimension_semantics<arbitrary>], iteration_bounds = array<i64: 16>, scalar_prefetch = 0 : i64, scratch_operands = 0 : i64, tpu.core_type = #tpu.core_type<tc>, window_params = [{transform_indices = @transform_0, window_bounds = array<i64: 256, 16>}, {transform_indices = @transform_1, window_bounds = array<i64: 256, 16>}, {transform_indices = @transform_2, window_bounds = array<i64: 256, 2080>}, {transform_indices = @transform_3, window_bounds = array<i64: 256, 16>}, {transform_indices = @transform_4, window_bounds = array<i64: 256, 130>}]} {
    %get3A = arith.constant 0 : index
    %get3A_0 = arith.constant 0 : index
    %get3A_1 = vector.load %arg1[%get3A, %get3A_0] : memref<256x16xf32, #tpu.memory_space<vmem>>, vector<256x16xf32>
    %get3A_2 = arith.constant 0 : index
    %get3A_3 = arith.constant 0 : index
    %get3A_4 = vector.load %arg2[%get3A_2, %get3A_3] : memref<256x16xf32, #tpu.memory_space<vmem>>, vector<256x16xf32>
    %mul3A = arith.mulf %get3A_1, %get3A_1 : vector<256x16xf32>
    %mul3A_5 = arith.mulf %get3A_4, %get3A_4 : vector<256x16xf32>
    %add3A = arith.addf %mul3A, %mul3A_5 : vector<256x16xf32>
    %add3A_6 = arith.constant 9.99999993E-9 : f32
    %add3A_7 = vector.broadcast %add3A_6 : f32 to vector<256x16xf32>
    %add3A_8 = arith.addf %add3A, %add3A_7 : vector<256x16xf32>
    %sqrt3A = math.sqrt %add3A_8 : vector<256x16xf32>
    %swap3A = arith.constant 0 : index
    %swap3A_9 = arith.constant 0 : index
    %swap3A_10 = vector.load %arg4[%swap3A, %swap3A_9] : memref<256x16xf32, #tpu.memory_space<vmem>>, vector<256x16xf32>
    tpu.vector_store %arg4[%swap3A, %swap3A_9], %sqrt3A {strides = array<i32>} : memref<256x16xf32, #tpu.memory_space<vmem>>, vector<256x16xf32>,
    %iota3A = tpu.iota {dimensions = array<i32: 1>} : vector<1x2080xi32>
    %jit3A = arith.constant 130 : i32
    %div3A = vector.broadcast %jit3A : i32 to vector<1x2080xi32>
    %div3A_11 = arith.divsi %iota3A, %div3A : vector<1x2080xi32>
    %sign3A = arith.constant 0 : i32
    %sign3A_12 = vector.broadcast %sign3A : i32 to vector<1x2080xi32>
    %sign3A_13 = arith.cmpi sgt, %iota3A, %sign3A_12 : vector<1x2080xi32>
    %sign3A_14 = arith.extui %sign3A_13 : vector<1x2080xi1> to vector<1x2080xi32>
    %sign3A_15 = arith.constant 0 : i32
    %sign3A_16 = vector.broadcast %sign3A_15 : i32 to vector<1x2080xi32>
    %sign3A_17 = arith.cmpi slt, %iota3A, %sign3A_16 : vector<1x2080xi32>
    %sign3A_18 = arith.extui %sign3A_17 : vector<1x2080xi1> to vector<1x2080xi32>
    %sign3A_19 = arith.subi %sign3A_14, %sign3A_18 : vector<1x2080xi32>
    %sign3A_20 = arith.constant 0 : i32
    %sign3A_21 = arith.cmpi sgt, %jit3A, %sign3A_20 : i32
    %sign3A_22 = arith.extui %sign3A_21 : i1 to i32
    %sign3A_23 = arith.constant 0 : i32
    %sign3A_24 = arith.cmpi slt, %jit3A, %sign3A_23 : i32
    %sign3A_25 = arith.extui %sign3A_24 : i1 to i32
    %sign3A_26 = arith.subi %sign3A_22, %sign3A_25 : i32
    %ne3A = vector.broadcast %sign3A_26 : i32 to vector<1x2080xi32>
    %ne3A_27 = arith.cmpi ne, %sign3A_19, %ne3A : vector<1x2080xi32>
    %rem3A = vector.broadcast %jit3A : i32 to vector<1x2080xi32>
    %rem3A_28 = arith.remsi %iota3A, %rem3A : vector<1x2080xi32>
    %ne3A_29 = arith.constant 0 : i32
    %ne3A_30 = vector.broadcast %ne3A_29 : i32 to vector<1x2080xi32>
    %ne3A_31 = arith.cmpi ne, %rem3A_28, %ne3A_30 : vector<1x2080xi32>
    %and3A = arith.andi %ne3A_27, %ne3A_31 : vector<1x2080xi1>
    %sub3A = arith.constant 1 : i32
    %sub3A_32 = vector.broadcast %sub3A : i32 to vector<1x2080xi32>
    %sub3A_33 = arith.subi %div3A_11, %sub3A_32 : vector<1x2080xi32>
    %select_n3A = arith.select %and3A, %sub3A_33, %div3A_11 : vector<1x2080xi1>, vector<1x2080xi32>
    %mul3A_34 = arith.constant 130 : i32
    %mul3A_35 = vector.broadcast %mul3A_34 : i32 to vector<1x2080xi32>
    %mul3A_36 = arith.muli %select_n3A, %mul3A_35 : vector<1x2080xi32>
    %sub3A_37 = arith.subi %iota3A, %mul3A_36 : vector<1x2080xi32>
    %jit3A_38 = arith.constant 65 : i32
    %eq3A = arith.constant 0 : i32
    %eq3A_39 = arith.cmpi eq, %jit3A_38, %eq3A : i32
    %jit3A_40 = arith.constant 1 : i32
    %select_n3A_41 = arith.select %eq3A_39, %jit3A_40, %jit3A_38 : i32
    %rem3A_42 = vector.broadcast %select_n3A_41 : i32 to vector<1x2080xi32>
    %rem3A_43 = arith.remsi %sub3A_37, %rem3A_42 : vector<1x2080xi32>
    %ne3A_44 = arith.constant 0 : i32
    %ne3A_45 = vector.broadcast %ne3A_44 : i32 to vector<1x2080xi32>
    %ne3A_46 = arith.cmpi ne, %rem3A_43, %ne3A_45 : vector<1x2080xi32>
    %lt3A = arith.constant 0 : i32
    %lt3A_47 = vector.broadcast %lt3A : i32 to vector<1x2080xi32>
    %lt3A_48 = arith.cmpi slt, %rem3A_43, %lt3A_47 : vector<1x2080xi32>
    %lt3A_49 = arith.constant 0 : i32
    %lt3A_50 = arith.cmpi slt, %select_n3A_41, %lt3A_49 : i32
    %ne3A_51 = vector.broadcast %lt3A_50 : i1 to vector<1x2080xi1>
    %ne3A_52 = vector.broadcast %ne3A_51 : vector<1x2080xi1> to vector<1x2080xi1>
    %ne3A_53 = arith.xori %lt3A_48, %ne3A_52 : vector<1x2080xi1>
    %and3A_54 = arith.andi %ne3A_53, %ne3A_46 : vector<1x2080xi1>
    %add3A_55 = vector.broadcast %select_n3A_41 : i32 to vector<1x2080xi32>
    %add3A_56 = arith.addi %rem3A_43, %add3A_55 : vector<1x2080xi32>
    %select_n3A_57 = arith.select %and3A_54, %add3A_56, %rem3A_43 : vector<1x2080xi1>, vector<1x2080xi32>
    %ge3A = arith.constant 65 : i32
    %ge3A_58 = vector.broadcast %ge3A : i32 to vector<1x2080xi32>
    %ge3A_59 = arith.cmpi sge, %sub3A_37, %ge3A_58 : vector<1x2080xi32>
    %ge3A_60 = arith.constant 33 : i32
    %ge3A_61 = vector.broadcast %ge3A_60 : i32 to vector<1x2080xi32>
    %ge3A_62 = arith.cmpi sge, %select_n3A_57, %ge3A_61 : vector<1x2080xi32>
    %eq3A_63 = arith.constant 0 : i32
    %eq3A_64 = vector.broadcast %eq3A_63 : i32 to vector<1x2080xi32>
    %eq3A_65 = arith.cmpi eq, %select_n3A_57, %eq3A_64 : vector<1x2080xi32>
    %jit3A_66 = arith.constant 16 : i32
    %jit3A_67 = arith.constant 0 : i32
    %broadcast_in_dim3A = vector.broadcast %jit3A_66 : i32 to vector<1x2080xi32>
    %broadcast_in_dim3A_68 = vector.broadcast %jit3A_67 : i32 to vector<1x2080xi32>
    %select_n3A_69 = arith.select %ge3A_59, %broadcast_in_dim3A, %broadcast_in_dim3A_68 : vector<1x2080xi1>, vector<1x2080xi32>
    %add3A_70 = arith.addi %select_n3A, %select_n3A_69 : vector<1x2080xi32>
    %sub3A_71 = arith.constant 32 : i32
    %sub3A_72 = vector.broadcast %sub3A_71 : i32 to vector<1x2080xi32>
    %sub3A_73 = arith.subi %select_n3A_57, %sub3A_72 : vector<1x2080xi32>
    %select_n3A_74 = arith.select %ge3A_62, %sub3A_73, %select_n3A_57 : vector<1x2080xi1>, vector<1x2080xi32>
    %convert_element_type3A = arith.sitofp %select_n3A_74 : vector<1x2080xi32> to vector<1x2080xf32>
    %jit3A_75 = arith.constant 1.57079637 : f32
    %jit3A_76 = arith.constant 0.000000e+00 : f32
    %broadcast_in_dim3A_77 = vector.broadcast %jit3A_75 : f32 to vector<1x2080xf32>
    %broadcast_in_dim3A_78 = vector.broadcast %jit3A_76 : f32 to vector<1x2080xf32>
    %select_n3A_79 = arith.select %ge3A_62, %broadcast_in_dim3A_77, %broadcast_in_dim3A_78 : vector<1x2080xi1>, vector<1x2080xf32>
    %iota3A_80 = tpu.iota {dimensions = array<i32: 0>} : vector<32x1xi32>
    %eq3A_81 = vector.broadcast %iota3A_80 : vector<32x1xi32> to vector<32x2080xi32>
    %eq3A_82 = vector.broadcast %add3A_70 : vector<1x2080xi32> to vector<32x2080xi32>
    %eq3A_83 = arith.cmpi eq, %eq3A_81, %eq3A_82 : vector<32x2080xi32>
    %convert_element_type3A_84 = arith.extui %eq3A_83 : vector<32x2080xi1> to vector<32x2080xi32>
    %convert_element_type3A_85 = arith.sitofp %convert_element_type3A_84 : vector<32x2080xi32> to vector<32x2080xf32>
    %convert_element_type3A_86 = arith.truncf %convert_element_type3A_85 : vector<32x2080xf32> to vector<32x2080xbf16>
    %concatenate3A = tpu.concatenate %get3A_1, %get3A_4 in 1 : vector<256x16xf32>, vector<256x16xf32> -> vector<256x32xf32>
    %convert_element_type3A_87 = arith.truncf %concatenate3A : vector<256x32xf32> to vector<256x32xbf16>
    %convert_element_type3A_88 = arith.extf %convert_element_type3A_87 : vector<256x32xbf16> to vector<256x32xf32>
    %sub3A_89 = arith.subf %concatenate3A, %convert_element_type3A_88 : vector<256x32xf32>
    %convert_element_type3A_90 = arith.truncf %sub3A_89 : vector<256x32xf32> to vector<256x32xbf16>
    %convert_element_type3A_91 = arith.extf %convert_element_type3A_90 : vector<256x32xbf16> to vector<256x32xf32>
    %sub3A_92 = arith.subf %sub3A_89, %convert_element_type3A_91 : vector<256x32xf32>
    %convert_element_type3A_93 = arith.truncf %sub3A_92 : vector<256x32xf32> to vector<256x32xbf16>
    %dot_general3A = arith.constant dense<0.000000e+00> : vector<256x2080xf32>
    %dot_general3A_94 = tpu.matmul %convert_element_type3A_87, %convert_element_type3A_86, %dot_general3A {dimension_numbers = #tpu.dot_dimension_numbers<[1], [0], [0], [1], [0, 0, 1, 1], [], []>, transpose_lhs_hint = false} : vector<256x32xbf16>, vector<32x2080xbf16>, vector<256x2080xf32> -> vector<256x2080xf32>
    %add3A_95 = arith.constant 0.000000e+00 : f32
    %add3A_96 = vector.broadcast %add3A_95 : f32 to vector<256x2080xf32>
    %add3A_97 = arith.addf %add3A_96, %dot_general3A_94 : vector<256x2080xf32>
    %dot_general3A_98 = arith.constant dense<0.000000e+00> : vector<256x2080xf32>
    %dot_general3A_99 = tpu.matmul %convert_element_type3A_90, %convert_element_type3A_86, %dot_general3A_98 {dimension_numbers = #tpu.dot_dimension_numbers<[1], [0], [0], [1], [0, 0, 1, 1], [], []>, transpose_lhs_hint = false} : vector<256x32xbf16>, vector<32x2080xbf16>, vector<256x2080xf32> -> vector<256x2080xf32>
    %add3A_100 = arith.addf %add3A_97, %dot_general3A_99 : vector<256x2080xf32>
    %dot_general3A_101 = arith.constant dense<0.000000e+00> : vector<256x2080xf32>
    %dot_general3A_102 = tpu.matmul %convert_element_type3A_93, %convert_element_type3A_86, %dot_general3A_101 {dimension_numbers = #tpu.dot_dimension_numbers<[1], [0], [0], [1], [0, 0, 1, 1], [], []>, transpose_lhs_hint = false} : vector<256x32xbf16>, vector<32x2080xbf16>, vector<256x2080xf32> -> vector<256x2080xf32>
    %add3A_103 = arith.addf %add3A_100, %dot_general3A_102 : vector<256x2080xf32>
    %mul3A_104 = arith.constant 0.145560414 : f32
    %mul3A_105 = vector.broadcast %mul3A_104 : f32 to vector<256x2080xf32>
    %mul3A_106 = arith.mulf %add3A_103, %mul3A_105 : vector<256x2080xf32>
    %abs3A = math.absf %mul3A_106 : vector<256x2080xf32>
    %add3A_107 = arith.constant 1.000000e+00 : f32
    %add3A_108 = vector.broadcast %add3A_107 : f32 to vector<256x2080xf32>
    %add3A_109 = arith.addf %add3A_108, %abs3A : vector<256x2080xf32>
    %div3A_110 = arith.divf %mul3A_106, %add3A_109 : vector<256x2080xf32>
    %mul3A_111 = arith.constant 3.14159274 : f32
    %mul3A_112 = vector.broadcast %mul3A_111 : f32 to vector<1x2080xf32>
    %mul3A_113 = arith.mulf %convert_element_type3A, %mul3A_112 : vector<1x2080xf32>
    %mul3A_114 = vector.broadcast %mul3A_113 : vector<1x2080xf32> to vector<256x2080xf32>
    %mul3A_115 = arith.mulf %div3A_110, %mul3A_114 : vector<256x2080xf32>
    %add3A_116 = vector.broadcast %select_n3A_79 : vector<1x2080xf32> to vector<256x2080xf32>
    %add3A_117 = arith.addf %mul3A_115, %add3A_116 : vector<256x2080xf32>
    %mul3A_118 = arith.constant 0.159154937 : f32
    %mul3A_119 = vector.broadcast %mul3A_118 : f32 to vector<256x2080xf32>
    %mul3A_120 = arith.mulf %add3A_117, %mul3A_119 : vector<256x2080xf32>
    %add3A_121 = arith.constant 0x4B400000 : f32
    %add3A_122 = vector.broadcast %add3A_121 : f32 to vector<256x2080xf32>
    %add3A_123 = arith.addf %mul3A_120, %add3A_122 : vector<256x2080xf32>
    %sub3A_124 = arith.constant 0x4B400000 : f32
    %sub3A_125 = vector.broadcast %sub3A_124 : f32 to vector<256x2080xf32>
    %sub3A_126 = arith.subf %add3A_123, %sub3A_125 : vector<256x2080xf32>
    %mul3A_127 = arith.constant 6.28318548 : f32
    %mul3A_128 = vector.broadcast %mul3A_127 : f32 to vector<256x2080xf32>
    %mul3A_129 = arith.mulf %sub3A_126, %mul3A_128 : vector<256x2080xf32>
    %sub3A_130 = arith.subf %add3A_117, %mul3A_129 : vector<256x2080xf32>
    %mul3A_131 = arith.mulf %sub3A_130, %sub3A_130 : vector<256x2080xf32>
    %mul3A_132 = arith.constant 2.17325692E-6 : f32
    %mul3A_133 = vector.broadcast %mul3A_132 : f32 to vector<256x2080xf32>
    %mul3A_134 = arith.mulf %mul3A_133, %mul3A_131 : vector<256x2080xf32>
    %add3A_135 = arith.constant -1.93162705E-4 : f32
    %add3A_136 = vector.broadcast %add3A_135 : f32 to vector<256x2080xf32>
    %add3A_137 = arith.addf %mul3A_134, %add3A_136 : vector<256x2080xf32>
    %mul3A_138 = arith.mulf %add3A_137, %mul3A_131 : vector<256x2080xf32>
    %add3A_139 = arith.constant 0.00831238832 : f32
    %add3A_140 = vector.broadcast %add3A_139 : f32 to vector<256x2080xf32>
    %add3A_141 = arith.addf %mul3A_138, %add3A_140 : vector<256x2080xf32>
    %mul3A_142 = arith.mulf %add3A_141, %mul3A_131 : vector<256x2080xf32>
    %add3A_143 = arith.constant -0.166632593 : f32
    %add3A_144 = vector.broadcast %add3A_143 : f32 to vector<256x2080xf32>
    %add3A_145 = arith.addf %mul3A_142, %add3A_144 : vector<256x2080xf32>
    %mul3A_146 = arith.mulf %add3A_145, %mul3A_131 : vector<256x2080xf32>
    %add3A_147 = arith.constant 0.999984622 : f32
    %add3A_148 = vector.broadcast %add3A_147 : f32 to vector<256x2080xf32>
    %add3A_149 = arith.addf %mul3A_146, %add3A_148 : vector<256x2080xf32>
    %mul3A_150 = arith.mulf %add3A_149, %sub3A_130 : vector<256x2080xf32>
    %broadcast_in_dim3A_151 = vector.shape_cast %eq3A_65 : vector<1x2080xi1> to vector<1x2080xi1>
    %broadcast_in_dim3A_152 = vector.broadcast %broadcast_in_dim3A_151 : vector<1x2080xi1> to vector<256x2080xi1>
    %select_n3A_153 = arith.select %broadcast_in_dim3A_152, %div3A_110, %mul3A_150 : vector<256x2080xi1>, vector<256x2080xf32>
    %swap3A_154 = arith.constant 0 : index
    %swap3A_155 = arith.constant 0 : index
    %swap3A_156 = vector.load %arg3[%swap3A_154, %swap3A_155] : memref<256x2080xf32, #tpu.memory_space<vmem>>, vector<256x2080xf32>
    tpu.vector_store %arg3[%swap3A_154, %swap3A_155], %select_n3A_153 {strides = array<i32>} : memref<256x2080xf32, #tpu.memory_space<vmem>>, vector<256x2080xf32>,
    %iota3A_157 = tpu.iota {dimensions = array<i32: 1>} : vector<256x130xi32>
    %jit3A_158 = arith.constant 65 : i32
    %eq3A_159 = arith.constant 0 : i32
    %eq3A_160 = arith.cmpi eq, %jit3A_158, %eq3A_159 : i32
    %jit3A_161 = arith.constant 1 : i32
    %select_n3A_162 = arith.select %eq3A_160, %jit3A_161, %jit3A_158 : i32
    %rem3A_163 = vector.broadcast %select_n3A_162 : i32 to vector<256x130xi32>
    %rem3A_164 = arith.remsi %iota3A_157, %rem3A_163 : vector<256x130xi32>
    %ne3A_165 = arith.constant 0 : i32
    %ne3A_166 = vector.broadcast %ne3A_165 : i32 to vector<256x130xi32>
    %ne3A_167 = arith.cmpi ne, %rem3A_164, %ne3A_166 : vector<256x130xi32>
    %lt3A_168 = arith.constant 0 : i32
    %lt3A_169 = vector.broadcast %lt3A_168 : i32 to vector<256x130xi32>
    %lt3A_170 = arith.cmpi slt, %rem3A_164, %lt3A_169 : vector<256x130xi32>
    %lt3A_171 = arith.constant 0 : i32
    %lt3A_172 = arith.cmpi slt, %select_n3A_162, %lt3A_171 : i32
    %ne3A_173 = vector.broadcast %lt3A_172 : i1 to vector<256x130xi1>
    %ne3A_174 = vector.broadcast %ne3A_173 : vector<256x130xi1> to vector<256x130xi1>
    %ne3A_175 = arith.xori %lt3A_170, %ne3A_174 : vector<256x130xi1>
    %and3A_176 = arith.andi %ne3A_175, %ne3A_167 : vector<256x130xi1>
    %add3A_177 = vector.broadcast %select_n3A_162 : i32 to vector<256x130xi32>
    %add3A_178 = arith.addi %rem3A_164, %add3A_177 : vector<256x130xi32>
    %select_n3A_179 = arith.select %and3A_176, %add3A_178, %rem3A_164 : vector<256x130xi1>, vector<256x130xi32>
    %ge3A_180 = arith.constant 33 : i32
    %ge3A_181 = vector.broadcast %ge3A_180 : i32 to vector<256x130xi32>
    %ge3A_182 = arith.cmpi sge, %select_n3A_179, %ge3A_181 : vector<256x130xi32>
    %jit3A_183 = arith.constant 1.000000e+00 : f32
    %jit3A_184 = arith.constant 0.000000e+00 : f32
    %broadcast_in_dim3A_185 = vector.broadcast %jit3A_183 : f32 to vector<256x130xf32>
    %broadcast_in_dim3A_186 = vector.broadcast %jit3A_184 : f32 to vector<256x130xf32>
    %select_n3A_187 = arith.select %ge3A_182, %broadcast_in_dim3A_185, %broadcast_in_dim3A_186 : vector<256x130xi1>, vector<256x130xf32>
    %swap3A_188 = arith.constant 0 : index
    %swap3A_189 = arith.constant 0 : index
    %swap3A_190 = vector.load %arg5[%swap3A_188, %swap3A_189] : memref<256x130xf32, #tpu.memory_space<vmem>>, vector<256x130xf32>
    tpu.vector_store %arg5[%swap3A_188, %swap3A_189], %select_n3A_187 {strides = array<i32>} : memref<256x130xf32, #tpu.memory_space<vmem>>, vector<256x130xf32>,
    return
  }
  func.func @transform_0(%arg0: i32) -> (i32, i32) {
    %c0_i32 = arith.constant 0 : i32
    %c0_i32_0 = arith.constant 0 : i32
    return %arg0, %c0_i32 : i32, i32
  }
  func.func @transform_1(%arg0: i32) -> (i32, i32) {
    %c0_i32 = arith.constant 0 : i32
    %c0_i32_0 = arith.constant 0 : i32
    return %arg0, %c0_i32 : i32, i32
  }
  func.func @transform_2(%arg0: i32) -> (i32, i32) {
    %c0_i32 = arith.constant 0 : i32
    %c0_i32_0 = arith.constant 0 : i32
    return %arg0, %c0_i32 : i32, i32
  }
  func.func @transform_3(%arg0: i32) -> (i32, i32) {
    %c0_i32 = arith.constant 0 : i32
    %c0_i32_0 = arith.constant 0 : i32
    return %arg0, %c0_i32 : i32, i32
  }
  func.func @transform_4(%arg0: i32) -> (i32, i32) {
    %c0_i32 = arith.constant 0 : i32
    %c0_i32_0 = arith.constant 0 : i32
    return %arg0, %c0_i32 : i32, i32
  }
}

</mosaic_0001>

<sc_bundles>
// kernel: kernel.6.cloned.1.call-start
scs
__scs_entry_jumppad:
0x0: {  	(pc) =	sbr.rel $0x88, $3  }
0x1: {  	(tag) =	ssettag $0x0;
	lr =	simm.s32 $0x1  }
0x2: {  	[smem:$0x3F9F] =	sst lr;
	_ =	strace $0xD0000000  }
0x3: {  	_ = 	snop  }
0x4: {  	_ = 	snop  }
0x5: {  	_ = 	snop  }
0x6: {  	_ = 	snop  }
0x7: {  	_ = 	snop  }
__scs_overlays_trampoline_lowered:
0x8: {  	[smem:$0x3FAE] =	sst s0  }
0x9: {  	[smem:$0x3FAF] =	sst s1  }
0xa: {  	[smem:$0x3FB0] =	sst s2  }
0xb: {  	[smem:$0x3FB1] =	sst s3  }
0xc: {  	[smem:$0x3FB2] =	sst s4  }
0xd: {  	[smem:$0x3FB3] =	sst s5  }
0xe: {  	[smem:$0x3FB4] =	sst s6  }
0xf: {  	[smem:$0x3FB5] =	sst s7  }
0x10: {  	[smem:$0x3FB6] =	sst s8  }
0x11: {  	[smem:$0x3FB7] =	sst s9;
	s0 =	simm.s32 @!p0 $0x0  }
0x12: {  	s1 =	sld [smem:$0x3F9D];
	s0 =	simm.s32 @p0 $0x1  }
0x13: {  	[smem:$0x3FB8] =	sst s0;
	s0 =	simm.s32 @!p1 $0x0  }
0x14: {  	s2 =	sld [smem:$0x3F9C];
	s0 =	simm.s32 @p1 $0x1  }
0x15: {  	[smem:$0x3FB9] =	sst s0;
	s0 =	simm.s32 @!p2 $0x0  }
0x16: {  	s3 =	sld [smem:$0x3FDB];
	s0 =	simm.s32 @p2 $0x1  }
0x17: {  	s4 =	simm.s32 $0x1BF5;
	[smem:$0x3FBB] =	sst s0  }
0x18: {  	s0 =	sld [smem:$0x3F9E];
	_ =	swait.ge [sflag:s4], $0x0  }
0x19: {  	s7 =	sld [smem:$0x3F9F]  }
0x1a: {  	s8 =	sadd.s32 $0xFFFFE003, lr  }
0x1b: {  	s9 =	sadd.s32 $0xFFFFFEF7, lr;
	s5 =	simm.s32 $0xFFFFFFFF;
	p2 =	slt.u32 s8, $0xFFFFF086  }
0x1c: {  	p1 =	slt.u32 s9, $0xF7A;
	s5 =	simm.s32 @!p2 $0x0  }
0x1d: {  	s5 =	simm.s32 @p1 $0x1;
	p0 =	seq.s32 s7, s2  }
0x1e: {  	s7 =	smul.u32 @!p0 $0xF7A, s2;
	p2 =	seq.s32 @!p0 s5, $0x0  }
0x1f: {  	s9 =	smul.u32 $0xF7A, s1;
	s8 =	simm.s32 @!p0 $0x1BF5;
	p2 =	por !p2, p0  }
0x20: {  	[sflag:s8] =	ssyncset.s32 @!p0 $0xFFFFF086;
	s6 =	sadd.s32 @!p0 s3, s7;
	s7 =	simm.s32 @!p0 $0x108  }
0x21: {  	s3 =	sadd.s32 s3, s9;
	s6 =	sadd.s32 @!p0 $0x88, s6;
	s7 =	simm.s32 @p2 $0x1082  }
0x22: {  	[simem:s7], [sflag:s8] =	dma.local @!p0 [hbm:s6], $0xF7A  }
0x23: {  	s9 =	sor.u32 $0xD0000000, s2;
	s6 =	simm.s32 $0x108;
	_ =	swait.ge @!p0 [sflag:s8], $0x0  }
0x24: {  	s3 =	sadd.s32 $0x88, s3;
	s6 =	simm.s32 @!p1 $0x1082;
	[sflag:s4] =	ssyncset.s32 $0xFFFFF086  }
0x25: {  	[simem:s6], [sflag:s4] =	dma.local [hbm:s3], $0xF7A  }
0x26: {  	[smem:$0x3F9F] =	sst s1;
	(tag) =	ssettag s2;
	_ =	strace s9  }
0x27: {  	s1 =	sld [smem:$0x3FAF]  }
0x28: {  	s2 =	sld [smem:$0x3FB0]  }
0x29: {  	s4 =	sld [smem:$0x3FB2]  }
0x2a: {  	p0 =	seq.s32 s5, $0x0;
	s5 =	sld [smem:$0x3FB3]  }
0x2b: {  	s6 =	sld [smem:$0x3FB4]  }
0x2c: {  	s7 =	sld [smem:$0x3FB5]  }
0x2d: {  	s3 =	simm.s32 $0x108;
	s8 =	sld [smem:$0x3FB6]  }
0x2e: {  	s3 =	simm.s32 @!p0 $0x1082;
	s9 =	sld [smem:$0x3FB7]  }
0x2f: {  	lr =	sadd.s32 s0, s3;
	s0 =	sld [smem:$0x3FAE]  }
0x30: {  	s3 =	sld [smem:$0x3FB1]  }
0x31: {  	[smem:$0x3FBA] =	sst s10  }
0x32: {  	s10 =	sld [smem:$0x3FB8];
	_ =	sdelay $0x3  }
0x33: {  	p0 =	seq.s32 s10, $0x1;
	s10 =	sld [smem:$0x3FBA];
	_ =	sdelay $0x3  }
0x34: {  	[smem:$0x3FBA] =	sst s10  }
0x35: {  	s10 =	sld [smem:$0x3FB9];
	_ =	sdelay $0x3  }
0x36: {  	p1 =	seq.s32 s10, $0x1;
	s10 =	sld [smem:$0x3FBA];
	_ =	sdelay $0x3  }
0x37: {  	[smem:$0x3FBA] =	sst s10  }
0x38: {  	s10 =	sld [smem:$0x3FBB]  }
0x39: {  	_ = 	snop;
	(pc) =	sbr.ind lr, $3  }
0x3a: {  	_ = 	snop  }
0x3b: {  	_ = 	snop  }
0x3c: {  	p2 =	seq.s32 s10, $0x1;
	s10 =	sld [smem:$0x3FBA]  }
0x3d: {  	_ =	shalt  }
0x3e: {  	_ =	shalt  }
0x3f: {  	_ =	shalt  }
0x40: {  	_ =	shalt  }
0x41: {  	_ =	shalt  }
0x42: {  	_ =	shalt  }
0x43: {  	_ =	shalt  }
0x44: {  	_ =	shalt  }
0x45: {  	_ =	shalt  }
0x46: {  	_ =	shalt  }
0x47: {  	_ =	shalt  }
0x48: {  	_ =	shalt  }
0x49: {  	_ =	shalt  }
0x4a: {  	_ =	shalt  }
0x4b: {  	_ =	shalt  }
0x4c: {  	_ =	shalt  }
0x4d: {  	_ =	shalt  }
0x4e: {  	_ =	shalt  }
0x4f: {  	_ =	shalt  }
0x50: {  	_ =	shalt  }
0x51: {  	_ =	shalt  }
0x52: {  	_ =	shalt  }
0x53: {  	_ =	shalt  }
0x54: {  	_ =	shalt  }
0x55: {  	_ =	shalt  }
0x56: {  	_ =	shalt  }
0x57: {  	_ =	shalt  }
0x58: {  	_ =	shalt  }
0x59: {  	_ =	shalt  }
0x5a: {  	_ =	shalt  }
0x5b: {  	_ =	shalt  }
0x5c: {  	_ =	shalt  }
0x5d: {  	_ =	shalt  }
0x5e: {  	_ =	shalt  }
0x5f: {  	_ =	shalt  }
0x60: {  	_ =	shalt  }
0x61: {  	_ =	shalt  }
0x62: {  	_ =	shalt  }
0x63: {  	_ =	shalt  }
0x64: {  	_ =	shalt  }
0x65: {  	_ =	shalt  }
0x66: {  	_ =	shalt  }
0x67: {  	_ =	shalt  }
0x68: {  	_ =	shalt  }
0x69: {  	_ =	shalt  }
0x6a: {  	_ =	shalt  }
0x6b: {  	_ =	shalt  }
0x6c: {  	_ =	shalt  }
0x6d: {  	_ =	shalt  }
0x6e: {  	_ =	shalt  }
0x6f: {  	_ =	shalt  }
0x70: {  	_ =	shalt  }
0x71: {  	_ =	shalt  }
0x72: {  	_ =	shalt  }
0x73: {  	_ =	shalt  }
0x74: {  	_ =	shalt  }
0x75: {  	_ =	shalt  }
0x76: {  	_ =	shalt  }
0x77: {  	_ =	shalt  }
0x78: {  	_ =	shalt  }
0x79: {  	_ =	shalt  }
0x7a: {  	_ =	shalt  }
0x7b: {  	_ =	shalt  }
0x7c: {  	_ =	shalt  }
0x7d: {  	_ =	shalt  }
0x7e: {  	_ =	shalt  }
0x7f: {  	_ =	shalt  }
0x80: {  	_ =	shalt  }
0x81: {  	_ =	shalt  }
0x82: {  	_ =	shalt  }
0x83: {  	_ =	shalt  }
0x84: {  	_ =	shalt  }
0x85: {  	_ =	shalt  }
0x86: {  	_ =	shalt  }
0x87: {  	_ =	shalt  }
.Lfunc_end0:
.L_simem_size_0:
called_computation.1_lowered:
.L_overlay_start_0:
0x88: {  	s2 =	sld [smem:$0x3FD9]  }
0x89: {  	s3 =	sld [smem:$0x3FFE];
	_ =	sdelay $0x1  }
0x8a: {  	s1 =	srdreg.scid  }
0x8b: {  	s0 =	sand.u32 $0x1, s1  }
0x8c: {  	s14 =	sshll.u32 s0, $0xA;
	s2 =	sadd.s32 s3, s2  }
0x8d: {  	s2 =	sadd.s32 s2, s14  }
0x8e: {  	[smem:$0x3FC6] =	sst s2  }
0x8f: {  	_ = 	snop  }
0x90: {  	s2 =	sld [smem:$0x3FD0];
	_ =	sdelay $0x2  }
0x91: {  	s15 =	simm.s32 $0xA;
	s4 =	simm.s32 $0x10  }
0x92: {  	[smem:s4], [sflag:s15] =	dma.local [hbm:s2], $0x1  }
0x93: {  	_ =	swait.eq [sflag:s15], $0x1  }
0x94: {  	[sflag:s15] =	ssyncset.done $0x0  }
0x95: {  	s16 =	sld [smem:$0x12];
	[sflag:s15] =	ssyncadd.s32 $0xFFFFFFFF  }
0x96: {  	s17 =	sld [smem:$0x13];
	(tm) =	ssettm $0x1  }
0x97: {  	s18 =	sld [smem:$0x3FFB];
	_ =	sdelay $0x3  }
0x98: {  	_ =	strace s18  }
0x99: {  	s4 =	sld [smem:$0x3FFC];
	_ =	sdelay $0x3  }
0x9a: {  	_ =	strace s4  }
0x9b: {  	s4 =	sld [smem:$0x3FFD];
	_ =	sdelay $0x3  }
0x9c: {  	_ =	strace s4  }
0x9d: {  	_ =	strace $0x8FFFFFFF  }
0x9e: {  	s19 =	sld [smem:$0x3FDB];
	_ =	sdelay $0x1  }
0x9f: {  	s5 =	simm.s32 $_scs_section_size  }
0xa0: {  	s6 =	simm.s32 $_size__tile_overlayer_lowered;
	s7 =	simm.s32 $_tile_overlayer_lowered  }
0xa1: {  	s22 =	simm.s32 $0x1BFF;
	s21 =	sshll.u32 s7, $0x1;
	s4 =	sadd.s32 s5, s19  }
0xa2: {  	s8 =	simm.s32 $0x0;
	s20 =	sshll.u32 s6, $0x1;
	s6 =	sadd.s32 s21, s4  }
0xa3: {  	[timem:s8], [sflag:s22] =	dma.local [hbm:s6], s20  }
0xa4: {  	_ =	swait.ge [sflag:s22], s20  }
0xa5: {  	s5 =	ssub.s32 $0x0, s20;
	[sflag:s22] =	ssyncset.done $0x0  }
0xa6: {  	[sflag:s22] =	ssyncadd.s32 s5;
	_ =	sdelay $0x1  }
0xa7: {  	s23 =	simm.s32 $0x1B8B  }
0xa8: {  	_ =	swait.ge [sflag:s23], $0x1  }
0xa9: {  	[sflag:s23] =	ssyncset.done $0x0  }
0xaa: {  	s25 =	simm.s32 $0x1B8E;
	s24 =	sld [smem:$0x3FFE];
	[sflag:s23] =	ssyncadd.s32 $0xFFFFFFFF  }
0xab: {  	s26 =	simm.s32 $execute0_lowered;
	[smem:$0x3FD2] =	sst s25  }
0xac: {  	s6 =	sshll.u32 s26, $0x1;
	_ =	strace $0x80000046;
	[dreg:$0x1] =	wrdreg $0xFFFFFFFF  }
0xad: {  	s28 =	simm.s32 $_size_execute0_lowered;
	s4 =	sadd.s32 s4, s6;
	[dreg:$0x0] =	wrdreg $0x0  }
0xae: {  	s6 =	sshll.u32 s28, $0x1;
	[dreg:$0x2] =	wrdreg s4  }
0xaf: {  	[dreg:$0x3] =	wrdreg s6  }
0xb0: {  	[dreg:$0x4] =	wrdreg $0xC0  }
0xb1: {  	_ =	task [dreg:s8], $0x5FFFF  }
0xb2: {  	[dreg:$0x1] =	wrdreg $0xFFFFFFFF  }
0xb3: {  	[dreg:$0x0] =	wrdreg $0x60  }
0xb4: {  	[dreg:$0x2] =	wrdreg s17  }
0xb5: {  	[dreg:$0x3] =	wrdreg s24  }
0xb6: {  	[dreg:$0x4] =	wrdreg s16  }
0xb7: {  	[dreg:$0x5] =	wrdreg $0x9  }
0xb8: {  	_ =	task.clear_ibuf [dreg:s8], $0x6FFFF;
	_ =	strace $0x90000046  }
0xb9: {  	s29 =	simm.s32 $0x9;
	_ =	strace $0x80000048  }
0xba: {  	_ =	swait.ge [sflag:s29], $0x1  }
0xbb: {  	[sflag:s29] =	ssyncadd.s32 $0xFFFFFFFF  }
0xbc: {  	_ =	strace $0x90000048  }
0xbd: {  	_ =	sfence  }
0xbe: {  	s30 =	sld [smem:$0x0];
	_ =	sdelay $0x2  }
0xbf: {  	s31 =	sshll.u32 s1, $0xD;
	s1 =	sshrl.u32 s1, $0x2  }
0xc0: {  	s3 =	sand.u32 $0x4000, s31;
	s1 =	sadd.s32 s1, s30  }
0xc1: {  	s0 =	sor.u32 s3, s0;
	s1 =	sshll.u32 s1, $0x11  }
0xc2: {  	s0 =	sor.u32 s1, s0  }
0xc3: {  	s0 =	sadd.s32 $0x8F2B, s0  }
0xc4: {  	[sflag:s0] =	ssyncadd.remote.s32 $0x1  }
0xc5: {  	_ =	sfence.sel $0xFFFF  }
0xc6: {  	[dreg:$0x0] =	wrdreg $0xFFFFFFFF;
	(pc) =	sbr.abs _section_cstart, $3  }
0xc7: {  	[dreg:$0x1] =	wrdreg $0xFFFFFFFF  }
0xc8: {  	_ =	task.clear_ibuf [dreg:s8], $0x2FFFF;
	_ =	strace $0x9FFFFFFF  }
0xc9: {  	(tm) =	ssettm $0x7FFFFFFF  }
tec
execute0_lowered:
.L_overlay_start_1:
0x0: {  	(tag) =	ssettag $0x1  }
0x1: {  	s3 =	rddreg [dreg:$0x0]  }
0x2: {  	s0 =	stileid.u32;
	s4 =	rddreg [dreg:$0x1]  }
0x3: {  	s1 =	srdreg.scid;
	s6 =	rddreg [dreg:$0x2]  }
0x4: {  	s12 =	simm.s32 $0x1000;
	s13 =	simm.s32 $0x2100;
	s14 =	simm.s32 $0x6100  }
0x5: {  	s15 =	simm.s32 $0xA100;
	s16 =	simm.s32 $0x0;
	s2 =	sshll.u32 s0, $0x1  }
0x6: {  	s5 =	sand.u32 $0x1, s1;
	s1 =	rddreg [dreg:$0x3];
	s7 =	sshrl.u32 s0, $0x2  }
0x7: {  	s2 =	sand.u32 $0x6, s2;
	s9 =	sshll.u32 s7, $0xE;
	s31 =	ssub.s32 $0x2, s5  }
0x8: {  	s7 =	sshll.u32 s7, $0x4;
	s8 =	sor.u32 s5, s2;
	s2 =	simm.s32 $0x0  }
0x9: {  	s5 =	sshrl.u32 s31, $0x1;
	s3 =	sadd.s32 s3, s7;
	s10 =	sshll.u32 s8, $0xB  }
.Ltmp0:
0xa: {  	v0 =	vlaneseq.u32;
	[smem:$0x7FF] =	sst s2;
	s8 =	sshll.u32 s8, $0x8;
	(pc) =	sbr.rel .LBB2_1-.Ltmp0, $4  }
0xb: {  	v1 =	vmul.u32 $0x2, v0;
	s11 =	ssub.s32 s31, s5;
	s9 =	sor.u32 s9, s10;
	_ =	strace $0x80000047  }
0xc: {  	s10 =	sadd.s32 s9, s4;
	s4 =	sor.u32 $0x800, s8;
	s6 =	sadd.s32 s6, s9  }
0xd: {  	v2 =	vimm.f32 $+Inf;
	v3 =	vor.u32 $0x1, v1;
	s8 =	smax.u32 s11, $0x1;
	s9 =	simm.s32 $0x80;
	s11 =	simm.s32 $0x1  }
0xe: {  	v4 =	vor.u32 $0x21, v1;
	v5 =	vor.u32 $0x41, v1;
	v6 =	vor.u32 $0x61, v1;
	s5 =	sadd.s32 $0x13000, s10;
	s7 =	sadd.s32 $0x3000, s10;
	s10 =	simm.s32 $0x200  }
.LBB2_11:
0xf: {  	[hbm4b:s5+s2] =	stream.linear.scatter [tilespmem:s13], [sflag:$0x1], $0x4000, $0x38;
	[tilespmem:$0xE100] =	vst v63  }
0x10: {  	_ =	swait.ge [sflag:s11], $0x4000  }
0x11: {  	[sflag:s11] =	ssyncset.done $0x0  }
0x12: {  	[sflag:s11] =	ssyncadd.s32 $0xFFFFC000  }
0x13: {  	[hbm4b:s6+s2] =	stream.linear.scatter [tilespmem:s14], [sflag:$0x1], $0x4000, $0x38;
	[tilespmem:$0xE100] =	vst v63  }
0x14: {  	s16 =	sadd.s32 $0x1, s16;
	_ =	swait.ge [sflag:s11], $0x4000  }
0x15: {  	p0 =	sne.s32 s16, s8;
	[sflag:s11] =	ssyncset.done $0x0  }
.Ltmp1:
0x16: {  	[sflag:s11] =	ssyncadd.s32 $0xFFFFC000;
	(pc) =	sbr.rel @!p0 .LBB2_12-.Ltmp1, $4  }
0x17: {  	[hbm4b:s7+s2] =	stream.linear.scatter [tilespmem:s15], [sflag:$0x1], $0x4000, $0x38;
	[tilespmem:$0xE100] =	vst v63  }
0x18: {  	_ =	swait.ge [sflag:s11], $0x4000  }
0x19: {  	[sflag:s11] =	ssyncset.done $0x0  }
0x1a: {  	[sflag:s11] =	ssyncadd.s32 $0xFFFFC000  }
.LBB2_1:
0x1b: {  	[tilespmem:s2], [sflag:$0x1] =	stream.strided.gather [hbm4b:s3+s9], $0x1000, s10, s9, $0x38;
	[tilespmem:$0xE100] =	vst v63  }
.Ltmp2:
0x1c: {  	_ = 	snop;
	(pc) =	sbr.rel .LBB2_2-.Ltmp2, $4  }
0x1d: {  	_ =	swait.ge [sflag:s11], $0x1000  }
0x1e: {  	[sflag:s11] =	ssyncset.done $0x0  }
0x1f: {  	[sflag:s11] =	ssyncadd.s32 $0xFFFFF000  }
0x20: {  	s17 =	simm.s32 $0x0;
	[tilespmem:$0x1800] =	vst v2  }
.LBB2_9:
0x21: {  	_ =	sdelay $0x4  }
0x22: {  	v11, v12, _ =	vpop @!p1 (xrf1)  }
0x23: {  	v10 =	vpsel p1, v10, v12  }
.LBB2_10:
0x24: {  	v11 =	vshll.u32 v10, $0x1  }
0x25: {  	v12 =	vor.u32 $0x1, v11;
	_ =	sdelay $0x2  }
0x26: {  	[tilespmem:v7+s2+$0x0] =	vst.idx.msk $0xffff, v9  }
0x27: {  	v7 =	vld.idx.msk [tilespmem:v11+s2+$0x0], $0xffff  }
0x28: {  	v63 =	vld.idx.msk [tilespmem:v12+s2+$0x0], $0xffff  }
0x29: {  	s18 =	sshll.u32 s17, $0x7;
	s17 =	sadd.s32 $0x1, s17  }
0x2a: {  	p0 =	sne.s32 s17, $0x80  }
.Ltmp3:
0x2b: {  	_ = 	snop;
	(pc) =	sbr.rel @!p0 .LBB2_11-.Ltmp3, $4  }
0x2c: {  	v7 =	vsub.f32 v7, v9  }
0x2d: {  	[tilespmem:s18+$0x2100] =	vst v10;
	v8 =	vsub.f32 v63, v8  }
0x2e: {  	[tilespmem:s18+$0x6100] =	vst v7  }
0x2f: {  	[tilespmem:s18+$0xA100] =	vst v8  }
.LBB2_2:
0x30: {  	s18 =	sshll.u32 s17, $0x1  }
0x31: {  	s18 =	sadd.s32 s4, s18  }
0x32: {  	v7 =	vmov s18  }
0x33: {  	s29 =	simm.s32 $0x0;
	v8 =	vor.u32 $0x1, v7  }
0x34: {  	v10 =	vor.u32 s29, v1  }
0x35: {  	v11 =	vor.u32 s29, v3;
	_ =	sdelay $0x1  }
0x36: {  	v12 =	vimm.f32 $+Inf;
	v9 =	vld.idx.msk [tilespmem:v7+s29+$0x0], $0xffff  }
0x37: {  	v8 =	vld.idx.msk [tilespmem:v8+s29+$0x0], $0xffff;
	[tilespmem:v7+s29+$0x0] =	vst.idx.msk $0xffff, v12  }
0x38: {  	v10 =	vld.idx.msk [tilespmem:v10+s2+$0x0], $0xffff  }
0x39: {  	v11 =	vld.idx.msk [tilespmem:v11+s2+$0x0], $0xffff;
	_ =	sdelay $0x4  }
0x3a: {  	v10 =	vsub.f32 v10, v9;
	v11 =	vsub.f32 v11, v8  }
0x3b: {  	s30 =	simm.s32 $0x20  }
0x3c: {  	v13 =	vor.u32 s30, v4;
	v10 =	vmul.f32 v10, v10;
	v11 =	vmul.f32 v11, v11  }
0x3d: {  	v14 =	vor.u32 s30, v1  }
0x3e: {  	v10 =	vadd.f32 v11, v10  }
0x3f: {  	s18 =	simm.s32 $0x1020  }
0x40: {  	[tilespmem:s18+$0xFFFFFFE0] =	vst v10  }
0x41: {  	v11 =	vld.idx.msk [tilespmem:v13+s2+$0x0], $0xffff  }
0x42: {  	v13 =	vld.idx.msk [tilespmem:v14+s2+$0x0], $0xffff;
	_ =	sdelay $0x4  }
0x43: {  	v11 =	vsub.f32 v11, v8;
	v13 =	vsub.f32 v13, v9  }
0x44: {  	s19 =	simm.s32 $0x40  }
0x45: {  	v14 =	vor.u32 s19, v1;
	v11 =	vmul.f32 v11, v11;
	v13 =	vmul.f32 v13, v13  }
0x46: {  	v15 =	vor.u32 s19, v5  }
0x47: {  	v11 =	vadd.f32 v11, v13;
	_ =	sdelay $0x1  }
0x48: {  	[tilespmem:s18+$0xFFFFFFF0] =	vst v11  }
0x49: {  	v13 =	vld.idx.msk [tilespmem:v14+s2+$0x0], $0xffff  }
0x4a: {  	v14 =	vld.idx.msk [tilespmem:v15+s2+$0x0], $0xffff;
	_ =	sdelay $0x4  }
0x4b: {  	v13 =	vsub.f32 v13, v9;
	v14 =	vsub.f32 v14, v8  }
0x4c: {  	s31 =	simm.s32 $0x60  }
0x4d: {  	v15 =	vor.u32 s31, v1;
	v13 =	vmul.f32 v13, v13;
	v14 =	vmul.f32 v14, v14  }
0x4e: {  	v16 =	vor.u32 s31, v6  }
0x4f: {  	v13 =	vadd.f32 v14, v13;
	_ =	sdelay $0x1  }
0x50: {  	[tilespmem:s18+$0x0] =	vst v13  }
0x51: {  	v14 =	vld.idx.msk [tilespmem:v15+s2+$0x0], $0xffff  }
0x52: {  	v15 =	vld.idx.msk [tilespmem:v16+s2+$0x0], $0xffff;
	_ =	sdelay $0x4  }
0x53: {  	v10 =	vmin.f32 v12, v10;
	s19 =	simm.s32 $0x80;
	v14 =	vsub.f32 v14, v9;
	v15 =	vsub.f32 v15, v8  }
0x54: {  	v10 =	vmin.f32 v10, v11;
	v11 =	vor.u32 s19, v1  }
0x55: {  	s20 =	simm.s32 $0x4;
	s21 =	simm.s32 $0x1020;
	v10 =	vmin.f32 v10, v13;
	v12 =	vmul.f32 v14, v14;
	v13 =	vmul.f32 v15, v15  }
.LBB2_3:
0x56: {  	s20 =	sadd.s32 $0x4, s20;
	v14 =	vor.u32 s19, v3;
	s18 =	sadd.s32 $0x40, s18  }
0x57: {  	p0 =	slt.u32 s20, $0x7C;
	v12 =	vadd.f32 v13, v12;
	_ =	sdelay $0x1  }
0x58: {  	[tilespmem:s21+$0x10] =	vst v12;
	v10 =	vmin.f32 v10, v12;
	s21 =	smov.u32 s18  }
0x59: {  	v11 =	vld.idx.msk [tilespmem:v11+s2+$0x0], $0xffff  }
0x5a: {  	v12 =	vld.idx.msk [tilespmem:v14+s2+$0x0], $0xffff;
	_ =	sdelay $0x4  }
0x5b: {  	v11 =	vsub.f32 v11, v9  }
0x5c: {  	v12 =	vsub.f32 v12, v8  }
0x5d: {  	s22 =	sadd.s32 $0x20, s19  }
0x5e: {  	v13 =	vor.u32 s22, v4;
	v11 =	vmul.f32 v11, v11;
	v12 =	vmul.f32 v12, v12  }
0x5f: {  	v14 =	vor.u32 s22, v1  }
0x60: {  	v11 =	vadd.f32 v12, v11;
	_ =	sdelay $0x1  }
0x61: {  	[tilespmem:s18+$0xFFFFFFE0] =	vst v11  }
0x62: {  	v12 =	vld.idx.msk [tilespmem:v13+s2+$0x0], $0xffff  }
0x63: {  	v13 =	vld.idx.msk [tilespmem:v14+s2+$0x0], $0xffff;
	_ =	sdelay $0x4  }
0x64: {  	v12 =	vsub.f32 v12, v8  }
0x65: {  	v13 =	vsub.f32 v13, v9  }
0x66: {  	s22 =	sadd.s32 $0x40, s19;
	v12 =	vmul.f32 v12, v12  }
0x67: {  	v15 =	vor.u32 s22, v5;
	v14 =	vor.u32 s22, v1;
	v13 =	vmul.f32 v13, v13;
	_ =	sdelay $0x1  }
0x68: {  	v12 =	vadd.f32 v12, v13;
	_ =	sdelay $0x1  }
0x69: {  	[tilespmem:s18+$0xFFFFFFF0] =	vst v12  }
0x6a: {  	v13 =	vld.idx.msk [tilespmem:v14+s2+$0x0], $0xffff  }
0x6b: {  	v14 =	vld.idx.msk [tilespmem:v15+s2+$0x0], $0xffff;
	_ =	sdelay $0x4  }
0x6c: {  	v13 =	vsub.f32 v13, v9  }
0x6d: {  	v14 =	vsub.f32 v14, v8  }
0x6e: {  	s22 =	sadd.s32 $0x60, s19;
	v13 =	vmul.f32 v13, v13  }
0x6f: {  	v16 =	vor.u32 s22, v6;
	v15 =	vor.u32 s22, v1;
	v14 =	vmul.f32 v14, v14;
	_ =	sdelay $0x1  }
0x70: {  	v13 =	vadd.f32 v14, v13;
	_ =	sdelay $0x1  }
0x71: {  	[tilespmem:s18+$0x0] =	vst v13  }
0x72: {  	v14 =	vld.idx.msk [tilespmem:v15+s2+$0x0], $0xffff  }
0x73: {  	v15 =	vld.idx.msk [tilespmem:v16+s2+$0x0], $0xffff;
	_ =	sdelay $0x3  }
.Ltmp4:
0x74: {  	s19 =	sadd.s32 $0x80, s19;
	(pc) =	sbr.rel @p0 .LBB2_3-.Ltmp4, $4  }
0x75: {  	v14 =	vsub.f32 v14, v9  }
0x76: {  	v10 =	vmin.f32 v10, v11;
	v15 =	vsub.f32 v15, v8  }
0x77: {  	v10 =	vmin.f32 v10, v12;
	v12 =	vmul.f32 v14, v14  }
0x78: {  	v11 =	vor.u32 s19, v1;
	v10 =	vmin.f32 v10, v13;
	v13 =	vmul.f32 v15, v15  }
0x79: {  	v14 =	vor.u32 s19, v3  }
0x7a: {  	v12 =	vadd.f32 v13, v12;
	_ =	sdelay $0x1  }
0x7b: {  	[tilespmem:s21+$0x10] =	vst v12  }
0x7c: {  	v11 =	vld.idx.msk [tilespmem:v11+s2+$0x0], $0xffff  }
0x7d: {  	v51 =	vld.idx.msk [tilespmem:v14+s2+$0x0], $0xffff;
	_ =	sdelay $0x4  }
0x7e: {  	v11 =	vsub.f32 v11, v9;
	v13 =	vsub.f32 v51, v8  }
0x7f: {  	s20 =	sadd.s32 $0x20, s19  }
0x80: {  	v52 =	vor.u32 s20, v4;
	v11 =	vmul.f32 v11, v11;
	v13 =	vmul.f32 v13, v13  }
0x81: {  	v15 =	vor.u32 s20, v1  }
0x82: {  	v11 =	vadd.f32 v13, v11  }
0x83: {  	s18 =	sadd.s32 $0x40, s18  }
0x84: {  	[tilespmem:s18+$0xFFFFFFE0] =	vst v11  }
0x85: {  	v53 =	vld.idx.msk [tilespmem:v52+s2+$0x0], $0xffff  }
0x86: {  	v54 =	vld.idx.msk [tilespmem:v15+s2+$0x0], $0xffff;
	_ =	sdelay $0x4  }
0x87: {  	v13 =	vsub.f32 v53, v8;
	v14 =	vsub.f32 v54, v9  }
0x88: {  	s24 =	sadd.s32 $0x40, s19  }
0x89: {  	v55 =	vor.u32 s24, v1;
	v13 =	vmul.f32 v13, v13;
	v14 =	vmul.f32 v14, v14  }
0x8a: {  	v16 =	vor.u32 s24, v5  }
0x8b: {  	v13 =	vadd.f32 v13, v14;
	_ =	sdelay $0x1  }
0x8c: {  	[tilespmem:s18+$0xFFFFFFF0] =	vst v13  }
0x8d: {  	v56 =	vld.idx.msk [tilespmem:v55+s2+$0x0], $0xffff  }
0x8e: {  	v57 =	vld.idx.msk [tilespmem:v16+s2+$0x0], $0xffff;
	_ =	sdelay $0x4  }
0x8f: {  	v14 =	vsub.f32 v56, v9;
	v15 =	vsub.f32 v57, v8  }
0x90: {  	s25 =	sadd.s32 $0x60, s19  }
0x91: {  	v58 =	vor.u32 s25, v1;
	v14 =	vmul.f32 v14, v14;
	v15 =	vmul.f32 v15, v15  }
0x92: {  	v17 =	vor.u32 s25, v6  }
0x93: {  	v14 =	vadd.f32 v15, v14;
	_ =	sdelay $0x1  }
0x94: {  	[tilespmem:s18+$0x0] =	vst v14  }
0x95: {  	v59 =	vld.idx.msk [tilespmem:v58+s2+$0x0], $0xffff  }
0x96: {  	v60 =	vld.idx.msk [tilespmem:v17+s2+$0x0], $0xffff;
	_ =	sdelay $0x4  }
0x97: {  	v15 =	vsub.f32 v59, v9;
	v16 =	vsub.f32 v60, v8;
	_ =	sdelay $0x1  }
0x98: {  	v10 =	vmin.f32 v10, v12;
	v61 =	vmul.f32 v15, v15;
	v62 =	vmul.f32 v16, v16  }
0x99: {  	v10 =	vmin.f32 v10, v11  }
0x9a: {  	v10 =	vmin.f32 v10, v13;
	v11 =	vadd.f32 v62, v61  }
0x9b: {  	v10 =	vmin.f32 v10, v14  }
0x9c: {  	v10 =	vmin.f32 v10, v11  }
0x9d: {  	(xrf0) =	vmax.scan.msk.f32 $0xffff, v10;
	_ =	sdelay $0x2  }
0x9e: {  	s26 =	simm.s32 $0x1010;
	[tilespmem:s18+$0x10] =	vst v11  }
0x9f: {  	v11 =	vld [tilespmem:s26+$0xFFFFFFF0];
	_ =	sdelay $0x1  }
0xa0: {  	v10, _, _ =	vpop (xrf0)  }
0xa1: {  	v10 =	vbroadcast v10, $0xF  }
0xa2: {  	s28 =	simm.s32 $0x0  }
0xa3: {  	s29 =	simm.s32 $0x0;
	vm0 =	vle.f32 v11, v10;
	v11 =	vor.u32 s28, v0  }
0xa4: {  	[tilespmem:s29+$0x1880] =	vst.msk vm0, v11;
	v63 =	vmpcnt.ones.xlane vm0  }
0xa5: {  	v11 =	vld [tilespmem:s26+$0x0]  }
0xa6: {  	(v2sf) =	vpush v63, $0x0;
	_ =	sdelay $0x3  }
0xa7: {  	vm15 =	vle.f32 v11, v10  }
0xa8: {  	v11 =	vmpcnt.ones.xlane vm15;
	_ =	sdelay $0x1  }
0xa9: {  	(v2sf) =	vpush v11, $0x0;
	_ =	sdelay $0x7  }
0xaa: {  	s30 =	simm.s32 $0x10;
	s31 =	spop (v2sf)  }
0xab: {  	v11 =	vor.u32 s30, v0;
	s21 =	sadd.s32 $0x0, s31  }
0xac: {  	s19 =	simm.s32 $0x1030;
	[tilespmem:s21+$0x1880] =	vst.msk vm15, v11  }
0xad: {  	v11 =	vld [tilespmem:s19+$0xFFFFFFF0];
	_ =	sdelay $0x2  }
0xae: {  	s22 =	simm.s32 $0x20  }
0xaf: {  	s20 =	simm.s32 $0x2;
	s18 =	simm.s32 $0x30;
	s23 =	spop (v2sf)  }
.LBB2_5:
0xb0: {  	s20 =	sadd.s32 $0x2, s20;
	vm0 =	vle.f32 v11, v10;
	v11 =	vor.u32 s22, v0;
	s21 =	sadd.s32 s21, s23  }
0xb1: {  	p0 =	slt.u32 s20, $0x7E;
	v12 =	vmpcnt.ones.xlane vm0;
	[tilespmem:s21+$0x1880] =	vst.msk vm0, v11  }
0xb2: {  	v11 =	vld [tilespmem:s19+$0x0]  }
0xb3: {  	(v2sf) =	vpush v12, $0x0;
	_ =	sdelay $0x3  }
0xb4: {  	vm0 =	vle.f32 v11, v10  }
0xb5: {  	v11 =	vmpcnt.ones.xlane vm0;
	_ =	sdelay $0x1  }
0xb6: {  	(v2sf) =	vpush v11, $0x0;
	_ =	sdelay $0x7  }
0xb7: {  	s22 =	spop (v2sf)  }
0xb8: {  	v11 =	vor.u32 s18, v0;
	s21 =	sadd.s32 s21, s22  }
0xb9: {  	s19 =	sadd.s32 $0x20, s19;
	[tilespmem:s21+$0x1880] =	vst.msk vm0, v11  }
.Ltmp5:
0xba: {  	v11 =	vld [tilespmem:s19+$0xFFFFFFF0];
	(pc) =	sbr.rel @p0 .LBB2_5-.Ltmp5, $3  }
0xbb: {  	_ =	sdelay $0x1  }
0xbc: {  	s18 =	sadd.s32 $0x20, s18  }
0xbd: {  	s22 =	sadd.s32 $0xFFFFFFF0, s18;
	s23 =	spop (v2sf)  }
0xbe: {  	vm0 =	vle.f32 v11, v10;
	v11 =	vor.u32 s22, v0;
	s20 =	sadd.s32 s21, s23  }
0xbf: {  	[tilespmem:s20+$0x1880] =	vst.msk vm0, v11  }
0xc0: {  	v11 =	vld [tilespmem:s19+$0x0];
	_ =	sdelay $0x4  }
0xc1: {  	v12 =	vmpcnt.ones.xlane vm0;
	vm15 =	vle.f32 v11, v10  }
0xc2: {  	v10 =	vmpcnt.ones.xlane vm15  }
0xc3: {  	(v2sf) =	vpush v12, $0x0  }
0xc4: {  	(v2sf) =	vpush v10, $0x0;
	_ =	sdelay $0xd  }
0xc5: {  	s26 =	spop (v2sf)  }
0xc6: {  	s19 =	sadd.s32 s20, s26;
	s28 =	spop (v2sf)  }
0xc7: {  	s20 =	sadd.s32 s19, s28  }
0xc8: {  	s29 =	sadd.s32 $0xF, s20  }
0xc9: {  	s30 =	sand.u32 $0xF, s29  }
0xca: {  	s31 =	sshra.s32 s29, $0x1F;
	p1 =	slt.s32 s29, $0x1;
	p0 =	sne.s32 s30, $0x0  }
0xcb: {  	s22 =	sshrl.u32 s31, $0x1C;
	p0 =	por !p1, !p0  }
0xcc: {  	s21 =	sadd.s32 s22, s29;
	s22 =	simm.s32 $0x1;
	p0 =	por !p0, !p0  }
0xcd: {  	s21 =	sshra.s32 s21, $0x4;
	s22 =	simm.s32 @!p0 $0x0  }
0xce: {  	v10 =	vor.u32 s18, v0;
	s18 =	ssub.s32 s21, s22  }
0xcf: {  	p0 =	slt.s32 s18, $0x1  }
.Ltmp6:
0xd0: {  	_ = 	snop;
	(pc) =	sbr.rel @p0 .LBB2_10-.Ltmp6, $3  }
0xd1: {  	_ =	sdelay $0x1  }
0xd2: {  	[tilespmem:s19+$0x1880] =	vst.msk vm15, v10;
	v10 =	vimm.s32 $0x800  }
0xd3: {  	[tilespmem:s20+$0x1880] =	vst v10  }
0xd4: {  	s19 =	simm.s32 $0x1880  }
0xd5: {  	v12 =	vld [tilespmem:s19+$0x0];
	_ =	sdelay $0x7  }
0xd6: {  	v13 =	vld.idx.msk [tilespmem:v12+s12+$0x0], $0xffff;
	_ =	sdelay $0x3  }
0xd7: {  	v11 =	vimm.f32 $+Inf  }
0xd8: {  	vm0 =	vlt.f32 v13, v11  }
0xd9: {  	v14 =	vmpcnt.ones.xlane vm0;
	_ =	sdelay $0x1  }
0xda: {  	(v2sf) =	vpush v14, $0x0;
	_ =	sdelay $0xe  }
0xdb: {  	s31 =	spop (v2sf)  }
0xdc: {  	p1 =	slt.s32 s31, $0x1  }
0xdd: {  	(xrf1) =	vsort.dscd.msk.f32 @!p1 $0xffff, v13, v12;
	_ =	sdelay $0xd  }
0xde: {  	v12, v13, _ =	vpop @!p1 (xrf1)  }
0xdf: {  	vm0 =	vlt.f32 @!p1 v12, v11  }
0xe0: {  	v12 =	vsel @!p1 vm0, v12, v11;
	v13 =	vsel @!p1 vm0, v13, v10  }
0xe1: {  	(xrf1) =	vsort.ascd.msk.f32 @!p1 $0xffff, v12, v13;
	_ =	sdelay $0x1  }
0xe2: {  	s18 =	sadd.s32 $0xFFFFFFFF, s18  }
0xe3: {  	p0 =	sne.s32 s18, $0x0  }
.Ltmp7:
0xe4: {  	_ = 	snop;
	(pc) =	sbr.rel @!p0 .LBB2_9-.Ltmp7, $2  }
0xe5: {  	_ =	sdelay $0x2  }
0xe6: {  	s19 =	simm.s32 $0x1890;
	v12 =	vimm.f32 $+Inf  }
.LBB2_8:
0xe7: {  	v13 =	vld [tilespmem:s19+$0x0];
	s18 =	sadd.s32 $0xFFFFFFFF, s18  }
0xe8: {  	p0 =	sne.s32 s18, $0x0;
	_ =	sdelay $0x6  }
0xe9: {  	v14 =	vld.idx.msk [tilespmem:v13+s12+$0x0], $0xffff;
	_ =	sdelay $0x1  }
0xea: {  	v15, v16, _ =	vpop @!p1 (xrf1)  }
0xeb: {  	v17 =	vbroadcast @!p1 v15, $0xF;
	v11 =	vpsel p1, v11, v15;
	v10 =	vpsel p1, v10, v16;
	_ =	sdelay $0x1  }
0xec: {  	v12 =	vpsel p1, v12, v17  }
0xed: {  	vm0 =	vlt.f32 v14, v12  }
0xee: {  	v15 =	vmpcnt.ones.xlane vm0;
	_ =	sdelay $0x1  }
0xef: {  	(v2sf) =	vpush v15, $0x0;
	_ =	sdelay $0xe  }
0xf0: {  	s20 =	spop (v2sf)  }
0xf1: {  	p1 =	slt.s32 s20, $0x1  }
0xf2: {  	(xrf1) =	vsort.dscd.msk.f32 @!p1 $0xffff, v14, v13;
	_ =	sdelay $0xd  }
0xf3: {  	v13, v14, _ =	vpop @!p1 (xrf1)  }
0xf4: {  	vm0 =	vlt.f32 @!p1 v13, v11  }
.Ltmp8:
0xf5: {  	v13 =	vsel @!p1 vm0, v13, v11;
	v14 =	vsel @!p1 vm0, v14, v10;
	(pc) =	sbr.rel @p0 .LBB2_8-.Ltmp8, $2  }
0xf6: {  	(xrf1) =	vsort.ascd.msk.f32 @!p1 $0xffff, v13, v14;
	_ =	sdelay $0x2  }
0xf7: {  	s19 =	sadd.s32 $0x10, s19  }
.Ltmp9:
0xf8: {  	_ = 	snop;
	(pc) =	sbr.rel .LBB2_9-.Ltmp9, $1  }
0xf9: {  	_ =	sdelay $0x3  }
.LBB2_12:
0xfa: {  	_ =	sfence.sel $0x180000  }
0xfb: {  	[bflag:$0x0] =	sbarrier.arrive $0xFFFF  }
0xfc: {  	p0 =	sne.s32 s0, $0x0;
	_ =	strace $0x90000047  }
0xfd: {  	s0 =	sadd.s32 @!p0 $0x100000, s1;
	[bflag:$0x2] =	sbarrier.arrive $0xFFFF  }
0xfe: {  	[sflag:s0] =	ssyncadd.tile.s32 @!p0 $0x1;
	_ =	shalt  }
.Lfunc_end2:
_tile_overlayer_lowered:
.L_overlay_start_2:
0xff: {  	(tag) =	ssettag $0x2  }
0x100: {  	s0 =	rddreg [dreg:$0x0];
	s2 =	stileid.u32  }
0x101: {  	s1 =	rddreg [dreg:$0x1];
	p0 =	sne.s32 s2, $0x0  }
0x102: {  	s3 =	rddreg [dreg:$0x2];
	[bflag:$0x3] =	sbarrier.arrive $0xFFFF;
	s2 =	simm.s32 @!p0 $0x1C01  }
0x103: {  	[timem:s3], [sflag:s2] =	dma.local @!p0 [hbm:s0], s1  }
0x104: {  	s0 =	simm.s32 @!p0 $0x1  }
0x105: {  	_ =	swait.ge @!p0 [sflag:s0], s1  }
0x106: {  	s1 =	ssub.s32 @!p0 $0x0, s1;
	[sflag:s0] =	ssyncset.done @!p0 $0x0  }
0x107: {  	[sflag:s0] =	ssyncadd.s32 @!p0 s1  }
0x108: {  	[bflag:$0x3] =	sbarrier.arrive $0xFFFF  }
0x109: {  	_ =	shalt  }

// kernel: sparse-core-data-format-call.cloned.1.call-start
scs
called_computation_lowered:
.L_overlay_start_0:
0x0: {  	s2 =	sld [smem:$0x3FD9]  }
0x1: {  	s3 =	sld [smem:$0x3FFE];
	_ =	sdelay $0x1  }
0x2: {  	s1 =	srdreg.scid  }
0x3: {  	s0 =	sand.u32 $0x1, s1  }
0x4: {  	s15 =	sshll.u32 s0, $0xA;
	s2 =	sadd.s32 s3, s2  }
0x5: {  	s2 =	sadd.s32 s2, s15  }
0x6: {  	[smem:$0x3FC6] =	sst s2  }
0x7: {  	_ = 	snop  }
0x8: {  	s2 =	sld [smem:$0x3FD0];
	_ =	sdelay $0x2  }
0x9: {  	s16 =	simm.s32 $0xA;
	s4 =	simm.s32 $0x10  }
0xa: {  	[smem:s4], [sflag:s16] =	dma.local [hbm:s2], $0x1  }
0xb: {  	_ =	swait.eq [sflag:s16], $0x1  }
0xc: {  	[sflag:s16] =	ssyncset.done $0x0  }
0xd: {  	[sflag:s16] =	ssyncadd.s32 $0xFFFFFFFF  }
0xe: {  	s17 =	sld [smem:$0x11];
	(tm) =	ssettm $0x1  }
0xf: {  	s18 =	sld [smem:$0x3FFB];
	_ =	sdelay $0x3  }
0x10: {  	_ =	strace s18  }
0x11: {  	s3 =	sld [smem:$0x3FFC];
	_ =	sdelay $0x3  }
0x12: {  	_ =	strace s3  }
0x13: {  	s3 =	sld [smem:$0x3FFD];
	_ =	sdelay $0x3  }
0x14: {  	_ =	strace s3  }
0x15: {  	_ =	strace $0x8FFFFFFF  }
0x16: {  	s19 =	sld [smem:$0x3FDB];
	_ =	sdelay $0x1  }
0x17: {  	s20 =	simm.s32 $_scs_section_size  }
0x18: {  	s5 =	simm.s32 $_size__tile_overlayer_lowered;
	s6 =	simm.s32 $_tile_overlayer_lowered  }
0x19: {  	s23 =	simm.s32 $0x1BFF;
	s22 =	sshll.u32 s6, $0x1;
	s3 =	sadd.s32 s20, s19  }
0x1a: {  	s7 =	simm.s32 $0x0;
	s21 =	sshll.u32 s5, $0x1;
	s5 =	sadd.s32 s22, s3  }
0x1b: {  	[timem:s7], [sflag:s23] =	dma.local [hbm:s5], s21  }
0x1c: {  	_ =	swait.ge [sflag:s23], s21  }
0x1d: {  	s4 =	ssub.s32 $0x0, s21;
	[sflag:s23] =	ssyncset.done $0x0  }
0x1e: {  	[sflag:s23] =	ssyncadd.s32 s4;
	_ =	sdelay $0x1  }
0x1f: {  	s24 =	simm.s32 $0x1B8B  }
0x20: {  	_ =	swait.ge [sflag:s24], $0x1  }
0x21: {  	[sflag:s24] =	ssyncset.done $0x0  }
0x22: {  	s26 =	simm.s32 $0x1B8E;
	s25 =	sld [smem:$0x3FFE];
	[sflag:s24] =	ssyncadd.s32 $0xFFFFFFFF  }
0x23: {  	s27 =	simm.s32 $execute0_lowered;
	[smem:$0x3FD2] =	sst s26  }
0x24: {  	s5 =	sshll.u32 s27, $0x1;
	_ =	strace $0x80000049;
	[dreg:$0x1] =	wrdreg $0xFFFFFFFF  }
0x25: {  	s28 =	simm.s32 $_size_execute0_lowered;
	s3 =	sadd.s32 s3, s5;
	[dreg:$0x0] =	wrdreg $0x0  }
0x26: {  	s5 =	sshll.u32 s28, $0x1;
	[dreg:$0x2] =	wrdreg s3  }
0x27: {  	[dreg:$0x3] =	wrdreg s5  }
0x28: {  	[dreg:$0x4] =	wrdreg $0xC0  }
0x29: {  	_ =	task [dreg:s7], $0x5FFFF  }
0x2a: {  	[dreg:$0x1] =	wrdreg $0xFFFFFFFF  }
0x2b: {  	[dreg:$0x0] =	wrdreg $0x60  }
0x2c: {  	[dreg:$0x2] =	wrdreg s25  }
0x2d: {  	[dreg:$0x3] =	wrdreg s17  }
0x2e: {  	[dreg:$0x4] =	wrdreg $0x9  }
0x2f: {  	_ =	task.clear_ibuf [dreg:s7], $0x5FFFF;
	_ =	strace $0x90000049  }
0x30: {  	s29 =	simm.s32 $0x9;
	_ =	strace $0x8000004B  }
0x31: {  	_ =	swait.ge [sflag:s29], $0x1  }
0x32: {  	[sflag:s29] =	ssyncadd.s32 $0xFFFFFFFF  }
0x33: {  	_ =	strace $0x9000004B  }
0x34: {  	_ =	sfence  }
0x35: {  	s30 =	sld [smem:$0x0];
	_ =	sdelay $0x2  }
0x36: {  	s31 =	sshll.u32 s1, $0xD;
	s1 =	sshrl.u32 s1, $0x2  }
0x37: {  	s3 =	sand.u32 $0x4000, s31;
	s1 =	sadd.s32 s1, s30  }
0x38: {  	s0 =	sor.u32 s3, s0;
	s1 =	sshll.u32 s1, $0x11  }
0x39: {  	s0 =	sor.u32 s1, s0  }
0x3a: {  	s0 =	sadd.s32 $0x8F2B, s0  }
0x3b: {  	[sflag:s0] =	ssyncadd.remote.s32 $0x1  }
0x3c: {  	_ =	sfence.sel $0xFFFF  }
0x3d: {  	[dreg:$0x0] =	wrdreg $0xFFFFFFFF;
	(pc) =	sbr.abs _section_cstart, $3  }
0x3e: {  	[dreg:$0x1] =	wrdreg $0xFFFFFFFF  }
0x3f: {  	_ =	task.clear_ibuf [dreg:s7], $0x2FFFF;
	_ =	strace $0x9FFFFFFF  }
0x40: {  	(tm) =	ssettm $0x7FFFFFFF  }
0x41: {  	_ =	shalt  }
tec
execute0_lowered:
.L_overlay_start_1:
0x0: {  	(tag) =	ssettag $0x1  }
0x1: {  	s0 =	srdreg.scid;
	s8 =	rddreg [dreg:$0x0]  }
0x2: {  	s2 =	rddreg [dreg:$0x1];
	s1 =	stileid.u32;
	s31 =	simm.s32 $0x2  }
0x3: {  	s16 =	simm.s32 $0x0;
	s12 =	simm.s32 $0x0;
	s17 =	simm.s32 $0x0  }
0x4: {  	s18 =	simm.s32 $0x0;
	s15 =	simm.s32 $0x0;
	s0 =	sshll.u32 s0, $0x4  }
0x5: {  	s27 =	sshll.u32 s1, $0x3;
	s5 =	sshrl.u32 s1, $0x1;
	s3 =	sand.u32 $0x10, s0  }
0x6: {  	s0 =	rddreg [dreg:$0x2];
	_ =	strace $0x8000004A;
	s4 =	sor.u32 s1, s3  }
0x7: {  	s3 =	sand.u32 $0x8, s27;
	s6 =	sshll.u32 s4, $0x5;
	s7 =	sshll.u32 s4, $0x6  }
0x8: {  	s9 =	ssub.s32 $0x10, s3;
	s4 =	sand.u32 $0x3, s5;
	s14 =	smov.u32 s3  }
0x9: {  	s5 =	sand.u32 $0x600, s7;
	s28 =	sshrl.u32 s9, $0x3;
	s9 =	sshrl.u32 s9, $0x4  }
0xa: {  	s29 =	ssub.s32 $0x85, s4;
	s7 =	sand.u32 $0x1, s28;
	s10 =	ssub.s32 $0x800, s5  }
0xb: {  	s7 =	sadd.s32 s9, s7;
	s11 =	sand.u32 $0x600, s10;
	s9 =	sshrl.u32 s29, $0x2  }
0xc: {  	p0 =	sne.s32 s11, $0x0;
	s11 =	simm.s32 $0x1;
	s7 =	smul.u32 s9, s7  }
.Ltmp0:
0xd: {  	s10 =	sshrl.u32 s10, $0xB;
	s11 =	simm.s32 @!p0 $0x0;
	(pc) =	sbr.rel .LBB1_1-.Ltmp0, $4  }
0xe: {  	s30 =	sand.u32 $0x300, s6;
	s6 =	simm.s32 $0x1;
	s10 =	sadd.s32 s11, s10  }
0xf: {  	[sflag:s6] =	ssyncpa.u1 $0x0;
	s8 =	sadd.s32 s30, s8;
	s7 =	smul.u32 s10, s7  }
0x10: {  	s13 =	smov.u32 s4;
	[sflag:s31] =	ssyncpa.u1 $0x0;
	s8 =	sadd.s32 $0x26B000, s8  }
0x11: {  	s11 =	simm.s32 $0x410000;
	s10 =	simm.s32 $0x1000;
	s9 =	sadd.s32 $0x1, s7  }
.LBB1_7:
0x12: {  	s19 =	sadd.s32 $0x4, s13  }
0x13: {  	s17 =	sadd.s32 $0x10, s14;
	s20 =	smov.u32 s14;
	p1 =	sgt.s32 s19, $0x81  }
0x14: {  	s20 =	smov.u32 @p1 s17  }
0x15: {  	s19 =	smov.u32 @p1 s4;
	p1 =	sgt.s32 s20, $0xF  }
0x16: {  	s20 =	smov.u32 @p1 s3;
	p1 =	sne.s32 s15, s9  }
.Ltmp1:
0x17: {  	p0 =	slt.u32 s15, $0x2;
	(pc) =	sbr.rel @!p1 .LBB1_8-.Ltmp1, $4  }
0x18: {  	s18 =	smov.u32 s14;
	s16 =	simm.s32 @!p0 $0x2  }
0x19: {  	s12 =	sadd.s32 $0x4000, s12;
	_ =	swait.ge @!p0 [sflag:s16], $0x4000;
	s17 =	smov.u32 s13  }
0x1a: {  	[sflag:s16] =	ssyncset.done @!p0 $0x0;
	s13 =	smov.u32 s19;
	s15 =	sadd.s32 $0x1, s15  }
0x1b: {  	[sflag:s16] =	ssyncadd.s32 @!p0 $0xFFFFC000;
	s16 =	smov.u32 s5;
	s14 =	smov.u32 s20  }
.LBB1_1:
0x1c: {  	p0 =	sge.u32 s15, s7  }
0x1d: {  	s20 =	smul.u32 @!p0 $0x20800, s14  }
0x1e: {  	s31 =	sadd.s32 $0xFFFFFFFF, s15;
	s19 =	sxor.u32 @!p0 $0xFFFFFFFF, s15;
	s21 =	sshll.u32 @!p0 s13, $0xA  }
0x1f: {  	s22 =	simm.s32 @!p0 $0x104000;
	s19 =	sshll.u32 @!p0 s19, $0xE;
	s20 =	sadd.s32 @!p0 s20, s8  }
0x20: {  	s19 =	sand.u32 @!p0 $0x4000, s19;
	s20 =	sadd.s32 @!p0 s21, s20;
	s21 =	simm.s32 @!p0 $0x800  }
0x21: {  	[tilespmem:s19], [sflag:$0x1] =	stream.strided.gather @!p0 [hbm4b:s20+s21], $0x4000, s22, s21, $0x38;
	[tilespmem:$0x10000] =	vst v63  }
0x22: {  	p0 =	sge.u32 s31, s7  }
.Ltmp2:
0x23: {  	_ = 	snop;
	(pc) =	sbr.rel @p0 .LBB1_7-.Ltmp2, $1  }
0x24: {  	_ =	sdelay $0x3  }
0x25: {  	s19 =	sshll.u32 s12, $0x2;
	_ =	swait.ge [sflag:s6], $0x4000;
	s31 =	sshll.u32 s15, $0xE  }
0x26: {  	s23 =	simm.s32 $0x0;
	s24 =	simm.s32 $0x0;
	s19 =	sand.u32 $0x10000, s19  }
0x27: {  	s25 =	simm.s32 $0x0;
	[sflag:s6] =	ssyncset.done $0x0;
	s22 =	sshrl.u32 s19, $0x2  }
0x28: {  	s19 =	sand.u32 $0x4000, s31;
	[sflag:s6] =	ssyncadd.s32 $0xFFFFC000;
	s20 =	sor.u32 $0x400, s22  }
0x29: {  	s21 =	sor.u32 $0x8000, s22;
	s19 =	sor.u32 $0x8000, s19;
	s22 =	sadd.s32 $0x8C00, s22  }
.LBB1_3:
0x2a: {  	v0 =	vmov s21;
	v1 =	vld [tilespmem:s20+$0x270]  }
0x2b: {  	v2 =	vld [tilespmem:s20+$0xFFFFFC10]  }
0x2c: {  	v3 =	vld [tilespmem:s20+$0xFFFFFC20]  }
0x2d: {  	s26 =	sshll.u32 s24, $0x2;
	s27 =	sand.u32 $0x3, s23;
	v4 =	vld [tilespmem:s20+$0xFFFFFC30]  }
0x2e: {  	v5 =	vld [tilespmem:s20+$0xFFFFFC40];
	s28 =	sand.u32 $0xFFFFF800, s26;
	s27 =	sshll.u32 s27, $0x9;
	s26 =	simm.s32 $0x0  }
0x2f: {  	v6 =	vld [tilespmem:s20+$0xFFFFFC50];
	s27 =	sor.u32 s27, s28;
	[tilespmem:v0+s26+$0xC70 ss:$0x1] =	vst.idx.msk $0xffff, v1  }
0x30: {  	v7 =	vld [tilespmem:s20+$0x220];
	s27 =	sshrl.u32 s27, $0x2;
	[tilespmem:v0+s26+$0x10 ss:$0x1] =	vst.idx.msk $0xffff, v2  }
0x31: {  	v8 =	vld [tilespmem:s20+$0x230];
	s27 =	sadd.s32 s27, s22;
	[tilespmem:v0+s26+$0x20 ss:$0x1] =	vst.idx.msk $0xffff, v3  }
0x32: {  	v1 =	vmov s27;
	[tilespmem:v0+s26+$0x30 ss:$0x1] =	vst.idx.msk $0xffff, v4;
	v4 =	vld [tilespmem:s20+$0xFFFFFE00]  }
0x33: {  	[tilespmem:v0+s26+$0x40 ss:$0x1] =	vst.idx.msk $0xffff, v5;
	v5 =	vld [tilespmem:s20+$0xFFFFFE10]  }
0x34: {  	[tilespmem:v0+s26+$0x50 ss:$0x1] =	vst.idx.msk $0xffff, v6;
	v6 =	vld [tilespmem:s20+$0xFFFFFE20]  }
0x35: {  	v2 =	vld [tilespmem:s20+$0xFFFFFC60];
	[tilespmem:v0+s26+$0xC20 ss:$0x1] =	vst.idx.msk $0xffff, v7  }
0x36: {  	v3 =	vld [tilespmem:s20+$0xFFFFFC70];
	[tilespmem:v0+s26+$0xC30 ss:$0x1] =	vst.idx.msk $0xffff, v8  }
0x37: {  	[tilespmem:v1+s26+$0xFFFFF800 ss:$0x1] =	vst.idx.msk $0xffff, v4;
	v4 =	vld [tilespmem:s20+$0xFFFFFE50]  }
0x38: {  	[tilespmem:v0+s26+$0x410 ss:$0x1] =	vst.idx.msk $0xffff, v5;
	v5 =	vld [tilespmem:s20+$0xFFFFFE60]  }
0x39: {  	[tilespmem:v0+s26+$0x420 ss:$0x1] =	vst.idx.msk $0xffff, v6;
	v6 =	vld [tilespmem:s20+$0xFFFFFE70]  }
0x3a: {  	[tilespmem:v0+s26+$0x60 ss:$0x1] =	vst.idx.msk $0xffff, v2;
	v2 =	vld [tilespmem:s20+$0xFFFFFE30]  }
0x3b: {  	[tilespmem:v0+s26+$0x70 ss:$0x1] =	vst.idx.msk $0xffff, v3;
	v3 =	vld [tilespmem:s20+$0xFFFFFE40]  }
0x3c: {  	[tilespmem:v0+s26+$0x450 ss:$0x1] =	vst.idx.msk $0xffff, v4;
	v4 =	vld [tilespmem:s20+$0x20]  }
0x3d: {  	[tilespmem:v0+s26+$0x460 ss:$0x1] =	vst.idx.msk $0xffff, v5;
	v5 =	vld [tilespmem:s20+$0x30]  }
0x3e: {  	[tilespmem:v0+s26+$0x470 ss:$0x1] =	vst.idx.msk $0xffff, v6;
	v6 =	vld [tilespmem:s20+$0x40]  }
0x3f: {  	[tilespmem:v0+s26+$0x430 ss:$0x1] =	vst.idx.msk $0xffff, v2;
	v2 =	vld [tilespmem:s20+$0x0]  }
0x40: {  	[tilespmem:v0+s26+$0x440 ss:$0x1] =	vst.idx.msk $0xffff, v3;
	v3 =	vld [tilespmem:s20+$0x10]  }
0x41: {  	[tilespmem:v0+s26+$0x820 ss:$0x1] =	vst.idx.msk $0xffff, v4;
	v4 =	vld [tilespmem:s20+$0x70]  }
0x42: {  	[tilespmem:v0+s26+$0x830 ss:$0x1] =	vst.idx.msk $0xffff, v5;
	v5 =	vld [tilespmem:s20+$0x200]  }
0x43: {  	[tilespmem:v0+s26+$0x840 ss:$0x1] =	vst.idx.msk $0xffff, v6;
	v6 =	vld [tilespmem:s20+$0x210]  }
0x44: {  	[tilespmem:v1+s26+$0xFFFFFC00 ss:$0x1] =	vst.idx.msk $0xffff, v2;
	v2 =	vld [tilespmem:s20+$0x50]  }
0x45: {  	[tilespmem:v0+s26+$0x810 ss:$0x1] =	vst.idx.msk $0xffff, v3;
	v3 =	vld [tilespmem:s20+$0x60]  }
0x46: {  	[tilespmem:v0+s26+$0x870 ss:$0x1] =	vst.idx.msk $0xffff, v4;
	v4 =	vld [tilespmem:s20+$0x240]  }
0x47: {  	[tilespmem:v1+s26+$0x0 ss:$0x1] =	vst.idx.msk $0xffff, v5;
	v5 =	vld [tilespmem:s20+$0x250]  }
0x48: {  	[tilespmem:v0+s26+$0xC10 ss:$0x1] =	vst.idx.msk $0xffff, v6;
	v6 =	vld [tilespmem:s20+$0x260]  }
0x49: {  	s27 =	sadd.s32 $0x80, s20;
	[tilespmem:v0+s26+$0x850 ss:$0x1] =	vst.idx.msk $0xffff, v2;
	v2 =	vld [tilespmem:s20+$0xFFFFFC00]  }
0x4a: {  	s29 =	simm.s32 $0x8000;
	s28 =	simm.s32 $0x4000;
	[tilespmem:v0+s26+$0x860 ss:$0x1] =	vst.idx.msk $0xffff, v3;
	v3 =	vld [tilespmem:s27+$0x270]  }
.LBB1_4:
0x4b: {  	p0 =	sne.s32 s29, $0xC000;
	v7 =	vld [tilespmem:s27+$0xFFFFFC10];
	[tilespmem:v0+s26+$0xC40 ss:$0x1] =	vst.idx.msk $0xffff, v4  }
0x4c: {  	v4 =	vld [tilespmem:s27+$0xFFFFFC20];
	[tilespmem:v0+s26+$0xC50 ss:$0x1] =	vst.idx.msk $0xffff, v5  }
0x4d: {  	v5 =	vld [tilespmem:s27+$0xFFFFFC30];
	[tilespmem:v0+s26+$0xC60 ss:$0x1] =	vst.idx.msk $0xffff, v6  }
0x4e: {  	v6 =	vld [tilespmem:s27+$0xFFFFFC40];
	[tilespmem:v0+s26+$0x0 ss:$0x1] =	vst.idx.msk $0xffff, v2;
	s26 =	sshra.s32 s28, $0x2;
	s28 =	smov.u32 s29  }
0x4f: {  	v2 =	vld [tilespmem:s27+$0xFFFFFC50];
	[tilespmem:v0+s26+$0xC70 ss:$0x1] =	vst.idx.msk $0xffff, v3  }
0x50: {  	[tilespmem:v0+s26+$0x10 ss:$0x1] =	vst.idx.msk $0xffff, v7;
	v3 =	vld [tilespmem:s27+$0xFFFFFC60]  }
0x51: {  	[tilespmem:v0+s26+$0x20 ss:$0x1] =	vst.idx.msk $0xffff, v4;
	v4 =	vld [tilespmem:s27+$0xFFFFFC70]  }
0x52: {  	[tilespmem:v0+s26+$0x30 ss:$0x1] =	vst.idx.msk $0xffff, v5;
	v5 =	vld [tilespmem:s27+$0xFFFFFE00]  }
0x53: {  	[tilespmem:v0+s26+$0x40 ss:$0x1] =	vst.idx.msk $0xffff, v6;
	v6 =	vld [tilespmem:s27+$0xFFFFFE10]  }
0x54: {  	[tilespmem:v0+s26+$0x50 ss:$0x1] =	vst.idx.msk $0xffff, v2;
	v2 =	vld [tilespmem:s27+$0xFFFFFE20]  }
0x55: {  	[tilespmem:v0+s26+$0x60 ss:$0x1] =	vst.idx.msk $0xffff, v3;
	v3 =	vld [tilespmem:s27+$0xFFFFFE30]  }
0x56: {  	[tilespmem:v0+s26+$0x70 ss:$0x1] =	vst.idx.msk $0xffff, v4;
	v4 =	vld [tilespmem:s27+$0xFFFFFE40]  }
0x57: {  	[tilespmem:v1+s26+$0xFFFFF800 ss:$0x1] =	vst.idx.msk $0xffff, v5;
	v5 =	vld [tilespmem:s27+$0xFFFFFE50]  }
0x58: {  	[tilespmem:v0+s26+$0x410 ss:$0x1] =	vst.idx.msk $0xffff, v6;
	v6 =	vld [tilespmem:s27+$0xFFFFFE60]  }
0x59: {  	[tilespmem:v0+s26+$0x420 ss:$0x1] =	vst.idx.msk $0xffff, v2;
	v2 =	vld [tilespmem:s27+$0xFFFFFE70]  }
0x5a: {  	[tilespmem:v0+s26+$0x430 ss:$0x1] =	vst.idx.msk $0xffff, v3;
	v3 =	vld [tilespmem:s27+$0x0]  }
0x5b: {  	[tilespmem:v0+s26+$0x440 ss:$0x1] =	vst.idx.msk $0xffff, v4;
	v4 =	vld [tilespmem:s27+$0x10]  }
0x5c: {  	[tilespmem:v0+s26+$0x450 ss:$0x1] =	vst.idx.msk $0xffff, v5;
	v5 =	vld [tilespmem:s27+$0x20]  }
0x5d: {  	[tilespmem:v0+s26+$0x460 ss:$0x1] =	vst.idx.msk $0xffff, v6;
	v6 =	vld [tilespmem:s27+$0x30]  }
0x5e: {  	[tilespmem:v0+s26+$0x470 ss:$0x1] =	vst.idx.msk $0xffff, v2;
	v2 =	vld [tilespmem:s27+$0x40]  }
0x5f: {  	[tilespmem:v1+s26+$0xFFFFFC00 ss:$0x1] =	vst.idx.msk $0xffff, v3;
	v3 =	vld [tilespmem:s27+$0x50]  }
0x60: {  	[tilespmem:v0+s26+$0x810 ss:$0x1] =	vst.idx.msk $0xffff, v4;
	v4 =	vld [tilespmem:s27+$0x60]  }
0x61: {  	[tilespmem:v0+s26+$0x820 ss:$0x1] =	vst.idx.msk $0xffff, v5;
	v5 =	vld [tilespmem:s27+$0x70]  }
0x62: {  	[tilespmem:v0+s26+$0x830 ss:$0x1] =	vst.idx.msk $0xffff, v6;
	v6 =	vld [tilespmem:s27+$0x200]  }
0x63: {  	[tilespmem:v0+s26+$0x840 ss:$0x1] =	vst.idx.msk $0xffff, v2;
	v2 =	vld [tilespmem:s27+$0x210]  }
0x64: {  	[tilespmem:v0+s26+$0x850 ss:$0x1] =	vst.idx.msk $0xffff, v3;
	v3 =	vld [tilespmem:s27+$0x220]  }
0x65: {  	[tilespmem:v0+s26+$0x860 ss:$0x1] =	vst.idx.msk $0xffff, v4;
	v7 =	vld [tilespmem:s27+$0x230]  }
.Ltmp3:
0x66: {  	[tilespmem:v0+s26+$0x870 ss:$0x1] =	vst.idx.msk $0xffff, v5;
	v4 =	vld [tilespmem:s27+$0x240];
	(pc) =	sbr.rel @p0 .LBB1_4-.Ltmp3, $4  }
0x67: {  	[tilespmem:v1+s26+$0x0 ss:$0x1] =	vst.idx.msk $0xffff, v6;
	v5 =	vld [tilespmem:s27+$0x250]  }
0x68: {  	[tilespmem:v0+s26+$0xC10 ss:$0x1] =	vst.idx.msk $0xffff, v2;
	v6 =	vld [tilespmem:s27+$0x260]  }
0x69: {  	v2 =	vld [tilespmem:s27+$0xFFFFFC00];
	[tilespmem:v0+s26+$0xC20 ss:$0x1] =	vst.idx.msk $0xffff, v3;
	s27 =	sadd.s32 $0x80, s27  }
0x6a: {  	s29 =	sadd.s32 $0x4000, s29;
	v3 =	vld [tilespmem:s27+$0x270];
	[tilespmem:v0+s26+$0xC30 ss:$0x1] =	vst.idx.msk $0xffff, v7  }
0x6b: {  	_ =	sdelay $0x3  }
0x6c: {  	v7 =	vld [tilespmem:s27+$0xFFFFFC10];
	[tilespmem:v0+s26+$0xC40 ss:$0x1] =	vst.idx.msk $0xffff, v4  }
0x6d: {  	v34 =	vld [tilespmem:s27+$0xFFFFFC20];
	[tilespmem:v0+s26+$0xC50 ss:$0x1] =	vst.idx.msk $0xffff, v5  }
0x6e: {  	v35 =	vld [tilespmem:s27+$0xFFFFFC30];
	[tilespmem:v0+s26+$0xC60 ss:$0x1] =	vst.idx.msk $0xffff, v6  }
0x6f: {  	s28 =	sshra.s32 s28, $0x2;
	v36 =	vld [tilespmem:s27+$0xFFFFFC40];
	[tilespmem:v0+s26+$0x0 ss:$0x1] =	vst.idx.msk $0xffff, v2  }
0x70: {  	v37 =	vld [tilespmem:s27+$0xFFFFFC50];
	[tilespmem:v0+s28+$0xC70 ss:$0x1] =	vst.idx.msk $0xffff, v3  }
0x71: {  	v38 =	vld [tilespmem:s27+$0xFFFFFC60];
	[tilespmem:v0+s28+$0x10 ss:$0x1] =	vst.idx.msk $0xffff, v7  }
0x72: {  	v39 =	vld [tilespmem:s27+$0xFFFFFC70];
	[tilespmem:v0+s28+$0x20 ss:$0x1] =	vst.idx.msk $0xffff, v34  }
0x73: {  	v40 =	vld [tilespmem:s27+$0xFFFFFE00];
	[tilespmem:v0+s28+$0x30 ss:$0x1] =	vst.idx.msk $0xffff, v35  }
0x74: {  	v41 =	vld [tilespmem:s27+$0xFFFFFE10];
	[tilespmem:v0+s28+$0x40 ss:$0x1] =	vst.idx.msk $0xffff, v36  }
0x75: {  	v42 =	vld [tilespmem:s27+$0xFFFFFE20];
	[tilespmem:v0+s28+$0x50 ss:$0x1] =	vst.idx.msk $0xffff, v37  }
0x76: {  	v43 =	vld [tilespmem:s27+$0xFFFFFE30];
	[tilespmem:v0+s28+$0x60 ss:$0x1] =	vst.idx.msk $0xffff, v38  }
0x77: {  	v44 =	vld [tilespmem:s27+$0xFFFFFE40];
	[tilespmem:v0+s28+$0x70 ss:$0x1] =	vst.idx.msk $0xffff, v39  }
0x78: {  	v45 =	vld [tilespmem:s27+$0xFFFFFE50];
	[tilespmem:v1+s28+$0xFFFFF800 ss:$0x1] =	vst.idx.msk $0xffff, v40  }
0x79: {  	v46 =	vld [tilespmem:s27+$0xFFFFFE60];
	[tilespmem:v0+s28+$0x410 ss:$0x1] =	vst.idx.msk $0xffff, v41  }
0x7a: {  	v47 =	vld [tilespmem:s27+$0xFFFFFE70];
	[tilespmem:v0+s28+$0x420 ss:$0x1] =	vst.idx.msk $0xffff, v42  }
0x7b: {  	v48 =	vld [tilespmem:s27+$0x0];
	[tilespmem:v0+s28+$0x430 ss:$0x1] =	vst.idx.msk $0xffff, v43  }
0x7c: {  	v49 =	vld [tilespmem:s27+$0x10];
	[tilespmem:v0+s28+$0x440 ss:$0x1] =	vst.idx.msk $0xffff, v44  }
0x7d: {  	v50 =	vld [tilespmem:s27+$0x20];
	[tilespmem:v0+s28+$0x450 ss:$0x1] =	vst.idx.msk $0xffff, v45  }
0x7e: {  	v51 =	vld [tilespmem:s27+$0x30];
	[tilespmem:v0+s28+$0x460 ss:$0x1] =	vst.idx.msk $0xffff, v46  }
0x7f: {  	v52 =	vld [tilespmem:s27+$0x40];
	[tilespmem:v0+s28+$0x470 ss:$0x1] =	vst.idx.msk $0xffff, v47  }
0x80: {  	v53 =	vld [tilespmem:s27+$0x50];
	[tilespmem:v1+s28+$0xFFFFFC00 ss:$0x1] =	vst.idx.msk $0xffff, v48  }
0x81: {  	v54 =	vld [tilespmem:s27+$0x60];
	[tilespmem:v0+s28+$0x810 ss:$0x1] =	vst.idx.msk $0xffff, v49  }
0x82: {  	v55 =	vld [tilespmem:s27+$0x70];
	[tilespmem:v0+s28+$0x820 ss:$0x1] =	vst.idx.msk $0xffff, v50  }
0x83: {  	v56 =	vld [tilespmem:s27+$0x200];
	[tilespmem:v0+s28+$0x830 ss:$0x1] =	vst.idx.msk $0xffff, v51  }
0x84: {  	v57 =	vld [tilespmem:s27+$0x210];
	[tilespmem:v0+s28+$0x840 ss:$0x1] =	vst.idx.msk $0xffff, v52  }
0x85: {  	v58 =	vld [tilespmem:s27+$0x220];
	[tilespmem:v0+s28+$0x850 ss:$0x1] =	vst.idx.msk $0xffff, v53  }
0x86: {  	v59 =	vld [tilespmem:s27+$0x230];
	[tilespmem:v0+s28+$0x860 ss:$0x1] =	vst.idx.msk $0xffff, v54  }
0x87: {  	v60 =	vld [tilespmem:s27+$0x240];
	[tilespmem:v0+s28+$0x870 ss:$0x1] =	vst.idx.msk $0xffff, v55  }
0x88: {  	v61 =	vld [tilespmem:s27+$0x250];
	[tilespmem:v1+s28+$0x0 ss:$0x1] =	vst.idx.msk $0xffff, v56  }
0x89: {  	v62 =	vld [tilespmem:s27+$0x260];
	s25 =	sadd.s32 $0x1, s25;
	[tilespmem:v0+s28+$0xC10 ss:$0x1] =	vst.idx.msk $0xffff, v57  }
0x8a: {  	v63 =	vld [tilespmem:s27+$0xFFFFFC00];
	p0 =	sne.s32 s25, $0x8;
	[tilespmem:v0+s28+$0xC20 ss:$0x1] =	vst.idx.msk $0xffff, v58  }
.Ltmp4:
0x8b: {  	[tilespmem:v0+s28+$0xC30 ss:$0x1] =	vst.idx.msk $0xffff, v59;
	(pc) =	sbr.rel @p0 .LBB1_3-.Ltmp4, $4  }
0x8c: {  	[tilespmem:v0+s28+$0xC40 ss:$0x1] =	vst.idx.msk $0xffff, v60  }
0x8d: {  	[tilespmem:v0+s28+$0xC50 ss:$0x1] =	vst.idx.msk $0xffff, v61  }
0x8e: {  	s20 =	sadd.s32 $0x800, s20;
	[tilespmem:v0+s28+$0xC60 ss:$0x1] =	vst.idx.msk $0xffff, v62  }
0x8f: {  	s24 =	sadd.s32 $0x80, s24;
	s23 =	sadd.s32 $0x1, s23;
	s21 =	sadd.s32 $0x80, s21;
	[tilespmem:v0+s28+$0x0 ss:$0x1] =	vst.idx.msk $0xffff, v63  }
0x90: {  	s17 =	sshll.u32 s17, $0xC  }
.Ltmp5:
0x91: {  	s20 =	sshll.u32 s18, $0x8;
	s31 =	sshll.u32 s18, $0x4;
	(pc) =	sbr.rel .LBB1_7-.Ltmp5, $4  }
0x92: {  	s20 =	sand.u32 $0x800, s20;
	s18 =	sand.u32 $0x70, s31;
	s17 =	sadd.s32 s2, s17  }
0x93: {  	s16 =	sor.u32 s16, s20;
	s17 =	sadd.s32 s18, s17  }
0x94: {  	s16 =	sadd.s32 s16, s17  }
0x95: {  	[hbm4b:s16+s10] =	stream.strided.scatter [tilespmem:s19], [sflag:$0x2], $0x4000, s11, s10, $0x38;
	[tilespmem:$0x10000] =	vst v63  }
.LBB1_8:
0x96: {  	_ =	sfence.sel $0x180000  }
0x97: {  	s2 =	simm.s32 $0x1;
	[bflag:$0x0] =	sbarrier.arrive $0xFFFF  }
0x98: {  	s31 =	simm.s32 $0x2;
	[sflag:s2] =	ssyncpa.u1 $0x1  }
0x99: {  	[sflag:s31] =	ssyncpa.u1 $0x1  }
0x9a: {  	p0 =	sne.s32 s1, $0x0;
	_ =	strace $0x9000004A  }
0x9b: {  	s0 =	sadd.s32 @!p0 $0x100000, s0;
	[bflag:$0x2] =	sbarrier.arrive $0xFFFF  }
0x9c: {  	[sflag:s0] =	ssyncadd.tile.s32 @!p0 $0x1;
	_ =	shalt  }
.Lfunc_end1:
_tile_overlayer_lowered:
.L_overlay_start_2:
0x9d: {  	(tag) =	ssettag $0x2  }
0x9e: {  	s0 =	rddreg [dreg:$0x0];
	s2 =	stileid.u32  }
0x9f: {  	s1 =	rddreg [dreg:$0x1];
	p0 =	sne.s32 s2, $0x0  }
0xa0: {  	s3 =	rddreg [dreg:$0x2];
	[bflag:$0x3] =	sbarrier.arrive $0xFFFF;
	s2 =	simm.s32 @!p0 $0x1C01  }
0xa1: {  	[timem:s3], [sflag:s2] =	dma.local @!p0 [hbm:s0], s1  }
0xa2: {  	s0 =	simm.s32 @!p0 $0x1  }
0xa3: {  	_ =	swait.ge @!p0 [sflag:s0], s1  }
0xa4: {  	s1 =	ssub.s32 @!p0 $0x0, s1;
	[sflag:s0] =	ssyncset.done @!p0 $0x0  }
0xa5: {  	[sflag:s0] =	ssyncadd.s32 @!p0 s1  }
0xa6: {  	[bflag:$0x3] =	sbarrier.arrive $0xFFFF  }
0xa7: {  	_ =	shalt  }

</sc_bundles>
